<compile_context>
chip_gen: v7x
topology: tpu7x:2x2x1
jax: 0.10.2.dev20260603
libtpu: 0.0.44.dev20260713+nightly
codegen_flags: <defaults>
</compile_context>

<pallas_src>
import functools

import jax
import jax.numpy as jnp
from jax import lax
from jax.experimental import pallas as pl
from jax.experimental.pallas import tpu as pltpu
from jax.experimental.pallas import tpu_sc as plsc

VOCAB = 100000
EMB = 128
B = 4096
L = 50

_NC = 2
_NS = 16
_NW = _NC * _NS
_BW = B // _NW
_NSLOT = 6


def _make_kernel():
    mesh = plsc.VectorSubcoreMesh(core_axis_name="c", subcore_axis_name="s")

    @functools.partial(
        pl.kernel,
        mesh=mesh,
        out_type=jax.ShapeDtypeStruct((L, B, EMB), jnp.float32),
        scratch_types=[
            pltpu.VMEM((L, _BW), jnp.int32),
            [pltpu.VMEM((_BW, EMB), jnp.float32)] * _NSLOT,
            [pltpu.SemaphoreType.DMA] * _NSLOT,
            [pltpu.SemaphoreType.DMA] * _NSLOT,
        ],
    )
    def k(idx_hbm, table_hbm, out_hbm, idx_v, rows, gsem, wsem):
        wid = lax.axis_index("s") * _NC + lax.axis_index("c")
        base = wid * _BW
        pltpu.sync_copy(idx_hbm.at[wid], idx_v)

        def sg(j, s):
            pltpu.async_copy(table_hbm.at[idx_v.at[j]], rows[s], gsem[s])

        def wg(j, s):
            pltpu.make_async_copy(
                table_hbm.at[idx_v.at[j]], rows[s], gsem[s]).wait()

        def sw(j, s):
            pltpu.async_copy(
                rows[s], out_hbm.at[j, pl.ds(base, _BW)], wsem[s])

        def ww(j, s):
            pltpu.make_async_copy(
                rows[s], out_hbm.at[j, pl.ds(base, _BW)], wsem[s]).wait()

        sg(0, 0)
        sg(1, 1)
        sg(2, 2)
        wg(0, 0)
        sg(3, 3)
        sw(0, 0)
        wg(1, 1)
        sg(4, 4)
        sw(1, 1)
        wg(2, 2)
        sg(5, 5)
        sw(2, 2)

        def body(q, _):
            j = 6 * q + 3
            for kk in range(6):
                s = (3 + kk) % _NSLOT
                s2 = kk % _NSLOT
                wg(j + kk, s)
                ww(j + kk - 3, s2)
                sg(j + kk + 3, s2)
                sw(j + kk, s)
            return 0

        lax.fori_loop(0, (L - 8) // 6, body, 0)

        j = L - 5
        wg(j, 3)
        ww(j - 3, 0)
        sg(j + 3, 0)
        sw(j, 3)
        wg(j + 1, 4)
        ww(j - 2, 1)
        sg(j + 4, 1)
        sw(j + 1, 4)
        wg(j + 2, 5)
        ww(j - 1, 2)
        sw(j + 2, 5)
        wg(j + 3, 0)
        ww(j, 3)
        sw(j + 3, 0)
        wg(j + 4, 1)
        ww(j + 1, 4)
        sw(j + 4, 1)
        ww(j + 2, 5)
        ww(j + 3, 0)
        ww(j + 4, 1)

    return k


_gather_kernel = _make_kernel()


@jax.jit
def kernel(x, weight):
    idx = x.astype(jnp.int32).T.reshape(L, _NW, _BW).transpose(1, 0, 2)
    out = _gather_kernel(idx, weight)
    return out.transpose(1, 0, 2)

# --- scband reference (transcript-rebuilt; emitter-appended) ---
"""Pipeline reference for scband-embed-83382495084780 (READ-ONLY COPY).

The authoritative reference and input builder live on the scoring server;
editing this copy changes nothing except your own understanding.
"""

import jax, jax.numpy as jnp
import numpy as np

VOCAB = 100000
EMB = 128
B = 4096
L = 50

def setup_inputs(seed: int = 0) -> dict:
    key = jax.random.key(seed)
    k1, k2 = jax.random.split(key)
    x = jax.random.randint(k1, (B, L), 0, VOCAB, dtype=jnp.int64 if jax.config.jax_enable_x64 else jnp.int32)
    weight = jax.random.normal(k2, (VOCAB, EMB), dtype=jnp.float32)
    return {"x": x, "weight": weight}

def reference(x, weight):
    # Embed.forward: nn.Embedding lookup -> gather rows of weight
    return jnp.take(weight, x, axis=0)

if __name__ == "__main__":
    import jax
    _d = setup_inputs()
    print(jax.jit(kernel)(*tuple(_d.values())))

</pallas_src>

<mosaic_0001>
#map = affine_map<(d0, d1) -> (0, 0, 0)>
#map1 = affine_map<(d0, d1) -> (0, 0)>
module attributes {stable_mosaic.version = 14 : i64} {
  func.func @k(%arg0: i32, %arg1: i32, %arg2: memref<32x50x128xi32, #tpu.memory_space<hbm>>, %arg3: memref<100000x128xf32, #tpu.memory_space<hbm>>, %arg4: memref<50x4096x128xf32, #tpu.memory_space<hbm>>, %arg5: memref<50x128xi32, #tpu.memory_space<vmem>>, %arg6: memref<128x128xf32, #tpu.memory_space<vmem>>, %arg7: memref<128x128xf32, #tpu.memory_space<vmem>>, %arg8: memref<128x128xf32, #tpu.memory_space<vmem>>, %arg9: memref<128x128xf32, #tpu.memory_space<vmem>>, %arg10: memref<128x128xf32, #tpu.memory_space<vmem>>, %arg11: memref<128x128xf32, #tpu.memory_space<vmem>>, %arg12: memref<!tpu.dma_semaphore, #tpu.memory_space<semaphore_mem>>, %arg13: memref<!tpu.dma_semaphore, #tpu.memory_space<semaphore_mem>>, %arg14: memref<!tpu.dma_semaphore, #tpu.memory_space<semaphore_mem>>, %arg15: memref<!tpu.dma_semaphore, #tpu.memory_space<semaphore_mem>>, %arg16: memref<!tpu.dma_semaphore, #tpu.memory_space<semaphore_mem>>, %arg17: memref<!tpu.dma_semaphore, #tpu.memory_space<semaphore_mem>>, %arg18: memref<!tpu.dma_semaphore, #tpu.memory_space<semaphore_mem>>, %arg19: memref<!tpu.dma_semaphore, #tpu.memory_space<semaphore_mem>>, %arg20: memref<!tpu.dma_semaphore, #tpu.memory_space<semaphore_mem>>, %arg21: memref<!tpu.dma_semaphore, #tpu.memory_space<semaphore_mem>>, %arg22: memref<!tpu.dma_semaphore, #tpu.memory_space<semaphore_mem>>, %arg23: memref<!tpu.dma_semaphore, #tpu.memory_space<semaphore_mem>>) attributes {dimension_semantics = [#tpu.dimension_semantics<core_parallel>, #tpu.dimension_semantics<subcore_parallel>], iteration_bounds = array<i64: 2, 16>, scalar_prefetch = 0 : i64, scratch_operands = 19 : i64, tpu.core_type = #tpu.core_type<sc_vector_subcore>, window_params = [{transform_indices = #map}, {transform_indices = #map1}, {transform_indices = #map}]} {
    %mul3A = arith.constant 2 : i32
    %mul3A_0 = arith.muli %arg1, %mul3A : i32
    %add3A = arith.addi %mul3A_0, %arg0 : i32
    %mul3A_1 = arith.constant 128 : i32
    %mul3A_2 = arith.muli %add3A, %mul3A_1 : i32
    "tpu.region"() ({
      %run_scoped3A = tpu.sem_alloc : memref<!tpu.dma_semaphore, #tpu.memory_space<semaphore_mem>>
      %dma_start3A_231 = arith.constant 0 : i32
      %dma_start3A_232 = arith.constant 0 : i32
      %dma_start3A_233 = tpu.memref_slice %arg2[%add3A, %dma_start3A_231, %dma_start3A_232] : memref<32x50x128xi32, #tpu.memory_space<hbm>> -> memref<1x50x128xi32, #tpu.memory_space<hbm>>
      %dma_start3A_234 = tpu.memref_squeeze %dma_start3A_233 : memref<1x50x128xi32, #tpu.memory_space<hbm>> -> memref<50x128xi32, #tpu.memory_space<hbm>>
      %dma_start3A_235 = arith.constant 0 : i32
      %dma_start3A_236 = arith.constant 0 : i32
      %dma_start3A_237 = tpu.memref_slice %arg2[%add3A, %dma_start3A_235, %dma_start3A_236] : memref<32x50x128xi32, #tpu.memory_space<hbm>> -> memref<1x50x128xi32, #tpu.memory_space<hbm>>
      %dma_start3A_238 = tpu.memref_squeeze %dma_start3A_237 : memref<1x50x128xi32, #tpu.memory_space<hbm>> -> memref<50x128xi32, #tpu.memory_space<hbm>>
      tpu.enqueue_dma source(%dma_start3A_238 : memref<50x128xi32, #tpu.memory_space<hbm>>) target(%arg5 : memref<50x128xi32, #tpu.memory_space<vmem>>) target_semaphore(%run_scoped3A : memref<!tpu.dma_semaphore, #tpu.memory_space<semaphore_mem>>)
      %dma_wait3A_239 = arith.constant 0 : i32
      %dma_wait3A_240 = arith.constant 0 : i32
      %dma_wait3A_241 = tpu.memref_slice %arg2[%add3A, %dma_wait3A_239, %dma_wait3A_240] : memref<32x50x128xi32, #tpu.memory_space<hbm>> -> memref<1x50x128xi32, #tpu.memory_space<hbm>>
      %dma_wait3A_242 = tpu.memref_squeeze %dma_wait3A_241 : memref<1x50x128xi32, #tpu.memory_space<hbm>> -> memref<50x128xi32, #tpu.memory_space<hbm>>
      %dma_wait3A_243 = arith.constant 0 : i32
      %dma_wait3A_244 = arith.constant 0 : i32
      %dma_wait3A_245 = tpu.memref_slice %arg2[%add3A, %dma_wait3A_243, %dma_wait3A_244] : memref<32x50x128xi32, #tpu.memory_space<hbm>> -> memref<1x50x128xi32, #tpu.memory_space<hbm>>
      %dma_wait3A_246 = tpu.memref_squeeze %dma_wait3A_245 : memref<1x50x128xi32, #tpu.memory_space<hbm>> -> memref<50x128xi32, #tpu.memory_space<hbm>>
      tpu.wait_dma2 semaphore(%run_scoped3A : memref<!tpu.dma_semaphore, #tpu.memory_space<semaphore_mem>>) src(%dma_wait3A_246 : memref<50x128xi32, #tpu.memory_space<hbm>>) dst(%arg5 : memref<50x128xi32, #tpu.memory_space<vmem>>)
      tpu.yield
    }) : () -> ()
    %dma_start3A = arith.constant 0 : i32
    %dma_start3A_3 = arith.constant 0 : i32
    %dma_start3A_4 = tpu.memref_slice %arg5[%dma_start3A, %dma_start3A_3] : memref<50x128xi32, #tpu.memory_space<vmem>> -> memref<1x128xi32, #tpu.memory_space<vmem>>
    %dma_start3A_5 = tpu.memref_squeeze %dma_start3A_4 : memref<1x128xi32, #tpu.memory_space<vmem>> -> memref<128xi32, #tpu.memory_space<vmem>>
    %dma_start3A_6 = arith.constant 0 : i32
    %dma_start3A_7 = arith.constant 0 : i32
    %dma_start3A_8 = tpu.memref_slice %arg3[%dma_start3A_6, %dma_start3A_7] : memref<100000x128xf32, #tpu.memory_space<hbm>> -> memref<100000x128xf32, #tpu.memory_space<hbm>>
    tpu.enqueue_indirect_dma source(%dma_start3A_8 : memref<100000x128xf32, #tpu.memory_space<hbm>>) target(%arg6 : memref<128x128xf32, #tpu.memory_space<vmem>>) offsets(%dma_start3A_5 : memref<128xi32, #tpu.memory_space<vmem>>) semaphore(%arg12 : memref<!tpu.dma_semaphore, #tpu.memory_space<semaphore_mem>>)
    %dma_start3A_9 = arith.constant 1 : i32
    %dma_start3A_10 = arith.constant 0 : i32
    %dma_start3A_11 = tpu.memref_slice %arg5[%dma_start3A_9, %dma_start3A_10] : memref<50x128xi32, #tpu.memory_space<vmem>> -> memref<1x128xi32, #tpu.memory_space<vmem>>
    %dma_start3A_12 = tpu.memref_squeeze %dma_start3A_11 : memref<1x128xi32, #tpu.memory_space<vmem>> -> memref<128xi32, #tpu.memory_space<vmem>>
    %dma_start3A_13 = arith.constant 0 : i32
    %dma_start3A_14 = arith.constant 0 : i32
    %dma_start3A_15 = tpu.memref_slice %arg3[%dma_start3A_13, %dma_start3A_14] : memref<100000x128xf32, #tpu.memory_space<hbm>> -> memref<100000x128xf32, #tpu.memory_space<hbm>>
    tpu.enqueue_indirect_dma source(%dma_start3A_15 : memref<100000x128xf32, #tpu.memory_space<hbm>>) target(%arg7 : memref<128x128xf32, #tpu.memory_space<vmem>>) offsets(%dma_start3A_12 : memref<128xi32, #tpu.memory_space<vmem>>) semaphore(%arg13 : memref<!tpu.dma_semaphore, #tpu.memory_space<semaphore_mem>>)
    %dma_start3A_16 = arith.constant 2 : i32
    %dma_start3A_17 = arith.constant 0 : i32
    %dma_start3A_18 = tpu.memref_slice %arg5[%dma_start3A_16, %dma_start3A_17] : memref<50x128xi32, #tpu.memory_space<vmem>> -> memref<1x128xi32, #tpu.memory_space<vmem>>
    %dma_start3A_19 = tpu.memref_squeeze %dma_start3A_18 : memref<1x128xi32, #tpu.memory_space<vmem>> -> memref<128xi32, #tpu.memory_space<vmem>>
    %dma_start3A_20 = arith.constant 0 : i32
    %dma_start3A_21 = arith.constant 0 : i32
    %dma_start3A_22 = tpu.memref_slice %arg3[%dma_start3A_20, %dma_start3A_21] : memref<100000x128xf32, #tpu.memory_space<hbm>> -> memref<100000x128xf32, #tpu.memory_space<hbm>>
    tpu.enqueue_indirect_dma source(%dma_start3A_22 : memref<100000x128xf32, #tpu.memory_space<hbm>>) target(%arg8 : memref<128x128xf32, #tpu.memory_space<vmem>>) offsets(%dma_start3A_19 : memref<128xi32, #tpu.memory_space<vmem>>) semaphore(%arg14 : memref<!tpu.dma_semaphore, #tpu.memory_space<semaphore_mem>>)
    %dma_wait3A = arith.constant 0 : i32
    %dma_wait3A_23 = arith.constant 0 : i32
    %dma_wait3A_24 = tpu.memref_slice %arg5[%dma_wait3A, %dma_wait3A_23] : memref<50x128xi32, #tpu.memory_space<vmem>> -> memref<1x128xi32, #tpu.memory_space<vmem>>
    %dma_wait3A_25 = tpu.memref_squeeze %dma_wait3A_24 : memref<1x128xi32, #tpu.memory_space<vmem>> -> memref<128xi32, #tpu.memory_space<vmem>>
    %dma_wait3A_26 = arith.constant 0 : i32
    %dma_wait3A_27 = arith.constant 0 : i32
    %dma_wait3A_28 = tpu.memref_slice %arg3[%dma_wait3A_26, %dma_wait3A_27] : memref<100000x128xf32, #tpu.memory_space<hbm>> -> memref<100000x128xf32, #tpu.memory_space<hbm>>
    tpu.wait_indirect_dma semaphore(%arg12 : memref<!tpu.dma_semaphore, #tpu.memory_space<semaphore_mem>>) src(%dma_wait3A_28 : memref<100000x128xf32, #tpu.memory_space<hbm>>) dst(%arg6 : memref<128x128xf32, #tpu.memory_space<vmem>>)
    %dma_start3A_29 = arith.constant 3 : i32
    %dma_start3A_30 = arith.constant 0 : i32
    %dma_start3A_31 = tpu.memref_slice %arg5[%dma_start3A_29, %dma_start3A_30] : memref<50x128xi32, #tpu.memory_space<vmem>> -> memref<1x128xi32, #tpu.memory_space<vmem>>
    %dma_start3A_32 = tpu.memref_squeeze %dma_start3A_31 : memref<1x128xi32, #tpu.memory_space<vmem>> -> memref<128xi32, #tpu.memory_space<vmem>>
    %dma_start3A_33 = arith.constant 0 : i32
    %dma_start3A_34 = arith.constant 0 : i32
    %dma_start3A_35 = tpu.memref_slice %arg3[%dma_start3A_33, %dma_start3A_34] : memref<100000x128xf32, #tpu.memory_space<hbm>> -> memref<100000x128xf32, #tpu.memory_space<hbm>>
    tpu.enqueue_indirect_dma source(%dma_start3A_35 : memref<100000x128xf32, #tpu.memory_space<hbm>>) target(%arg9 : memref<128x128xf32, #tpu.memory_space<vmem>>) offsets(%dma_start3A_32 : memref<128xi32, #tpu.memory_space<vmem>>) semaphore(%arg15 : memref<!tpu.dma_semaphore, #tpu.memory_space<semaphore_mem>>)
    %dma_start3A_36 = arith.constant 0 : i32
    %dma_start3A_37 = arith.constant 0 : i32
    %dma_start3A_38 = tpu.memref_slice %arg4[%dma_start3A_36, %mul3A_2, %dma_start3A_37] : memref<50x4096x128xf32, #tpu.memory_space<hbm>> -> memref<1x128x128xf32, #tpu.memory_space<hbm>>
    %dma_start3A_39 = tpu.memref_squeeze %dma_start3A_38 : memref<1x128x128xf32, #tpu.memory_space<hbm>> -> memref<128x128xf32, #tpu.memory_space<hbm>>
    %dma_start3A_40 = arith.constant 0 : i32
    %dma_start3A_41 = tpu.memref_slice %arg4[%dma_start3A_36, %mul3A_2, %dma_start3A_40] : memref<50x4096x128xf32, #tpu.memory_space<hbm>> -> memref<1x128x128xf32, #tpu.memory_space<hbm>>
    %dma_start3A_42 = tpu.memref_squeeze %dma_start3A_41 : memref<1x128x128xf32, #tpu.memory_space<hbm>> -> memref<128x128xf32, #tpu.memory_space<hbm>>
    tpu.enqueue_dma source(%arg6 : memref<128x128xf32, #tpu.memory_space<vmem>>) target(%dma_start3A_42 : memref<128x128xf32, #tpu.memory_space<hbm>>) target_semaphore(%arg18 : memref<!tpu.dma_semaphore, #tpu.memory_space<semaphore_mem>>)
    %dma_wait3A_43 = arith.constant 1 : i32
    %dma_wait3A_44 = arith.constant 0 : i32
    %dma_wait3A_45 = tpu.memref_slice %arg5[%dma_wait3A_43, %dma_wait3A_44] : memref<50x128xi32, #tpu.memory_space<vmem>> -> memref<1x128xi32, #tpu.memory_space<vmem>>
    %dma_wait3A_46 = tpu.memref_squeeze %dma_wait3A_45 : memref<1x128xi32, #tpu.memory_space<vmem>> -> memref<128xi32, #tpu.memory_space<vmem>>
    %dma_wait3A_47 = arith.constant 0 : i32
    %dma_wait3A_48 = arith.constant 0 : i32
    %dma_wait3A_49 = tpu.memref_slice %arg3[%dma_wait3A_47, %dma_wait3A_48] : memref<100000x128xf32, #tpu.memory_space<hbm>> -> memref<100000x128xf32, #tpu.memory_space<hbm>>
    tpu.wait_indirect_dma semaphore(%arg13 : memref<!tpu.dma_semaphore, #tpu.memory_space<semaphore_mem>>) src(%dma_wait3A_49 : memref<100000x128xf32, #tpu.memory_space<hbm>>) dst(%arg7 : memref<128x128xf32, #tpu.memory_space<vmem>>)
    %dma_start3A_50 = arith.constant 4 : i32
    %dma_start3A_51 = arith.constant 0 : i32
    %dma_start3A_52 = tpu.memref_slice %arg5[%dma_start3A_50, %dma_start3A_51] : memref<50x128xi32, #tpu.memory_space<vmem>> -> memref<1x128xi32, #tpu.memory_space<vmem>>
    %dma_start3A_53 = tpu.memref_squeeze %dma_start3A_52 : memref<1x128xi32, #tpu.memory_space<vmem>> -> memref<128xi32, #tpu.memory_space<vmem>>
    %dma_start3A_54 = arith.constant 0 : i32
    %dma_start3A_55 = arith.constant 0 : i32
    %dma_start3A_56 = tpu.memref_slice %arg3[%dma_start3A_54, %dma_start3A_55] : memref<100000x128xf32, #tpu.memory_space<hbm>> -> memref<100000x128xf32, #tpu.memory_space<hbm>>
    tpu.enqueue_indirect_dma source(%dma_start3A_56 : memref<100000x128xf32, #tpu.memory_space<hbm>>) target(%arg10 : memref<128x128xf32, #tpu.memory_space<vmem>>) offsets(%dma_start3A_53 : memref<128xi32, #tpu.memory_space<vmem>>) semaphore(%arg16 : memref<!tpu.dma_semaphore, #tpu.memory_space<semaphore_mem>>)
    %dma_start3A_57 = arith.constant 1 : i32
    %dma_start3A_58 = arith.constant 0 : i32
    %dma_start3A_59 = tpu.memref_slice %arg4[%dma_start3A_57, %mul3A_2, %dma_start3A_58] : memref<50x4096x128xf32, #tpu.memory_space<hbm>> -> memref<1x128x128xf32, #tpu.memory_space<hbm>>
    %dma_start3A_60 = tpu.memref_squeeze %dma_start3A_59 : memref<1x128x128xf32, #tpu.memory_space<hbm>> -> memref<128x128xf32, #tpu.memory_space<hbm>>
    %dma_start3A_61 = arith.constant 0 : i32
    %dma_start3A_62 = tpu.memref_slice %arg4[%dma_start3A_57, %mul3A_2, %dma_start3A_61] : memref<50x4096x128xf32, #tpu.memory_space<hbm>> -> memref<1x128x128xf32, #tpu.memory_space<hbm>>
    %dma_start3A_63 = tpu.memref_squeeze %dma_start3A_62 : memref<1x128x128xf32, #tpu.memory_space<hbm>> -> memref<128x128xf32, #tpu.memory_space<hbm>>
    tpu.enqueue_dma source(%arg7 : memref<128x128xf32, #tpu.memory_space<vmem>>) target(%dma_start3A_63 : memref<128x128xf32, #tpu.memory_space<hbm>>) target_semaphore(%arg19 : memref<!tpu.dma_semaphore, #tpu.memory_space<semaphore_mem>>)
    %dma_wait3A_64 = arith.constant 2 : i32
    %dma_wait3A_65 = arith.constant 0 : i32
    %dma_wait3A_66 = tpu.memref_slice %arg5[%dma_wait3A_64, %dma_wait3A_65] : memref<50x128xi32, #tpu.memory_space<vmem>> -> memref<1x128xi32, #tpu.memory_space<vmem>>
    %dma_wait3A_67 = tpu.memref_squeeze %dma_wait3A_66 : memref<1x128xi32, #tpu.memory_space<vmem>> -> memref<128xi32, #tpu.memory_space<vmem>>
    %dma_wait3A_68 = arith.constant 0 : i32
    %dma_wait3A_69 = arith.constant 0 : i32
    %dma_wait3A_70 = tpu.memref_slice %arg3[%dma_wait3A_68, %dma_wait3A_69] : memref<100000x128xf32, #tpu.memory_space<hbm>> -> memref<100000x128xf32, #tpu.memory_space<hbm>>
    tpu.wait_indirect_dma semaphore(%arg14 : memref<!tpu.dma_semaphore, #tpu.memory_space<semaphore_mem>>) src(%dma_wait3A_70 : memref<100000x128xf32, #tpu.memory_space<hbm>>) dst(%arg8 : memref<128x128xf32, #tpu.memory_space<vmem>>)
    %dma_start3A_71 = arith.constant 5 : i32
    %dma_start3A_72 = arith.constant 0 : i32
    %dma_start3A_73 = tpu.memref_slice %arg5[%dma_start3A_71, %dma_start3A_72] : memref<50x128xi32, #tpu.memory_space<vmem>> -> memref<1x128xi32, #tpu.memory_space<vmem>>
    %dma_start3A_74 = tpu.memref_squeeze %dma_start3A_73 : memref<1x128xi32, #tpu.memory_space<vmem>> -> memref<128xi32, #tpu.memory_space<vmem>>
    %dma_start3A_75 = arith.constant 0 : i32
    %dma_start3A_76 = arith.constant 0 : i32
    %dma_start3A_77 = tpu.memref_slice %arg3[%dma_start3A_75, %dma_start3A_76] : memref<100000x128xf32, #tpu.memory_space<hbm>> -> memref<100000x128xf32, #tpu.memory_space<hbm>>
    tpu.enqueue_indirect_dma source(%dma_start3A_77 : memref<100000x128xf32, #tpu.memory_space<hbm>>) target(%arg11 : memref<128x128xf32, #tpu.memory_space<vmem>>) offsets(%dma_start3A_74 : memref<128xi32, #tpu.memory_space<vmem>>) semaphore(%arg17 : memref<!tpu.dma_semaphore, #tpu.memory_space<semaphore_mem>>)
    %dma_start3A_78 = arith.constant 2 : i32
    %dma_start3A_79 = arith.constant 0 : i32
    %dma_start3A_80 = tpu.memref_slice %arg4[%dma_start3A_78, %mul3A_2, %dma_start3A_79] : memref<50x4096x128xf32, #tpu.memory_space<hbm>> -> memref<1x128x128xf32, #tpu.memory_space<hbm>>
    %dma_start3A_81 = tpu.memref_squeeze %dma_start3A_80 : memref<1x128x128xf32, #tpu.memory_space<hbm>> -> memref<128x128xf32, #tpu.memory_space<hbm>>
    %dma_start3A_82 = arith.constant 0 : i32
    %dma_start3A_83 = tpu.memref_slice %arg4[%dma_start3A_78, %mul3A_2, %dma_start3A_82] : memref<50x4096x128xf32, #tpu.memory_space<hbm>> -> memref<1x128x128xf32, #tpu.memory_space<hbm>>
    %dma_start3A_84 = tpu.memref_squeeze %dma_start3A_83 : memref<1x128x128xf32, #tpu.memory_space<hbm>> -> memref<128x128xf32, #tpu.memory_space<hbm>>
    tpu.enqueue_dma source(%arg8 : memref<128x128xf32, #tpu.memory_space<vmem>>) target(%dma_start3A_84 : memref<128x128xf32, #tpu.memory_space<hbm>>) target_semaphore(%arg20 : memref<!tpu.dma_semaphore, #tpu.memory_space<semaphore_mem>>)
    %scan3A = arith.constant 0 : i32
    %scan3A_85 = arith.constant 0 : i32
    %scan3A_86 = arith.constant 7 : i32
    %scan3A_87 = arith.addi %scan3A_85, %scan3A_86 : i32
    %scan3A_88 = arith.constant 1 : i32
    %scan3A_89 = scf.for %scan3A_231 = %scan3A_85 to %scan3A_87 step %scan3A_88 iter_args(%scan3A_232 = %scan3A) -> (i32)  : i32 {
      %mul3A_233 = arith.constant 6 : i32
      %mul3A_234 = arith.muli %mul3A_233, %scan3A_231 : i32
      %add3A_235 = arith.constant 3 : i32
      %add3A_236 = arith.addi %mul3A_234, %add3A_235 : i32
      %add3A_237 = arith.constant 0 : i32
      %add3A_238 = arith.addi %add3A_236, %add3A_237 : i32
      %dma_wait3A_239 = arith.constant 0 : i32
      %dma_wait3A_240 = tpu.memref_slice %arg5[%add3A_238, %dma_wait3A_239] : memref<50x128xi32, #tpu.memory_space<vmem>> -> memref<1x128xi32, #tpu.memory_space<vmem>>
      %dma_wait3A_241 = tpu.memref_squeeze %dma_wait3A_240 : memref<1x128xi32, #tpu.memory_space<vmem>> -> memref<128xi32, #tpu.memory_space<vmem>>
      %dma_wait3A_242 = arith.constant 0 : i32
      %dma_wait3A_243 = arith.constant 0 : i32
      %dma_wait3A_244 = tpu.memref_slice %arg3[%dma_wait3A_242, %dma_wait3A_243] : memref<100000x128xf32, #tpu.memory_space<hbm>> -> memref<100000x128xf32, #tpu.memory_space<hbm>>
      tpu.wait_indirect_dma semaphore(%arg15 : memref<!tpu.dma_semaphore, #tpu.memory_space<semaphore_mem>>) src(%dma_wait3A_244 : memref<100000x128xf32, #tpu.memory_space<hbm>>) dst(%arg9 : memref<128x128xf32, #tpu.memory_space<vmem>>)
      %add3A_245 = arith.constant 0 : i32
      %add3A_246 = arith.addi %add3A_236, %add3A_245 : i32
      %sub3A = arith.constant 3 : i32
      %sub3A_247 = arith.subi %add3A_246, %sub3A : i32
      %dma_wait3A_248 = arith.constant 0 : i32
      %dma_wait3A_249 = tpu.memref_slice %arg4[%sub3A_247, %mul3A_2, %dma_wait3A_248] : memref<50x4096x128xf32, #tpu.memory_space<hbm>> -> memref<1x128x128xf32, #tpu.memory_space<hbm>>
      %dma_wait3A_250 = tpu.memref_squeeze %dma_wait3A_249 : memref<1x128x128xf32, #tpu.memory_space<hbm>> -> memref<128x128xf32, #tpu.memory_space<hbm>>
      %dma_wait3A_251 = arith.constant 0 : i32
      %dma_wait3A_252 = tpu.memref_slice %arg4[%sub3A_247, %mul3A_2, %dma_wait3A_251] : memref<50x4096x128xf32, #tpu.memory_space<hbm>> -> memref<1x128x128xf32, #tpu.memory_space<hbm>>
      %dma_wait3A_253 = tpu.memref_squeeze %dma_wait3A_252 : memref<1x128x128xf32, #tpu.memory_space<hbm>> -> memref<128x128xf32, #tpu.memory_space<hbm>>
      tpu.wait_dma2 semaphore(%arg18 : memref<!tpu.dma_semaphore, #tpu.memory_space<semaphore_mem>>) src(%arg6 : memref<128x128xf32, #tpu.memory_space<vmem>>) dst(%dma_wait3A_253 : memref<128x128xf32, #tpu.memory_space<hbm>>)
      %add3A_254 = arith.constant 0 : i32
      %add3A_255 = arith.addi %add3A_236, %add3A_254 : i32
      %add3A_256 = arith.constant 3 : i32
      %add3A_257 = arith.addi %add3A_255, %add3A_256 : i32
      %dma_start3A_258 = arith.constant 0 : i32
      %dma_start3A_259 = tpu.memref_slice %arg5[%add3A_257, %dma_start3A_258] : memref<50x128xi32, #tpu.memory_space<vmem>> -> memref<1x128xi32, #tpu.memory_space<vmem>>
      %dma_start3A_260 = tpu.memref_squeeze %dma_start3A_259 : memref<1x128xi32, #tpu.memory_space<vmem>> -> memref<128xi32, #tpu.memory_space<vmem>>
      %dma_start3A_261 = arith.constant 0 : i32
      %dma_start3A_262 = arith.constant 0 : i32
      %dma_start3A_263 = tpu.memref_slice %arg3[%dma_start3A_261, %dma_start3A_262] : memref<100000x128xf32, #tpu.memory_space<hbm>> -> memref<100000x128xf32, #tpu.memory_space<hbm>>
      tpu.enqueue_indirect_dma source(%dma_start3A_263 : memref<100000x128xf32, #tpu.memory_space<hbm>>) target(%arg6 : memref<128x128xf32, #tpu.memory_space<vmem>>) offsets(%dma_start3A_260 : memref<128xi32, #tpu.memory_space<vmem>>) semaphore(%arg12 : memref<!tpu.dma_semaphore, #tpu.memory_space<semaphore_mem>>)
      %add3A_264 = arith.constant 0 : i32
      %add3A_265 = arith.addi %add3A_236, %add3A_264 : i32
      %dma_start3A_266 = arith.constant 0 : i32
      %dma_start3A_267 = tpu.memref_slice %arg4[%add3A_265, %mul3A_2, %dma_start3A_266] : memref<50x4096x128xf32, #tpu.memory_space<hbm>> -> memref<1x128x128xf32, #tpu.memory_space<hbm>>
      %dma_start3A_268 = tpu.memref_squeeze %dma_start3A_267 : memref<1x128x128xf32, #tpu.memory_space<hbm>> -> memref<128x128xf32, #tpu.memory_space<hbm>>
      %dma_start3A_269 = arith.constant 0 : i32
      %dma_start3A_270 = tpu.memref_slice %arg4[%add3A_265, %mul3A_2, %dma_start3A_269] : memref<50x4096x128xf32, #tpu.memory_space<hbm>> -> memref<1x128x128xf32, #tpu.memory_space<hbm>>
      %dma_start3A_271 = tpu.memref_squeeze %dma_start3A_270 : memref<1x128x128xf32, #tpu.memory_space<hbm>> -> memref<128x128xf32, #tpu.memory_space<hbm>>
      tpu.enqueue_dma source(%arg9 : memref<128x128xf32, #tpu.memory_space<vmem>>) target(%dma_start3A_271 : memref<128x128xf32, #tpu.memory_space<hbm>>) target_semaphore(%arg21 : memref<!tpu.dma_semaphore, #tpu.memory_space<semaphore_mem>>)
      %add3A_272 = arith.constant 1 : i32
      %add3A_273 = arith.addi %add3A_236, %add3A_272 : i32
      %dma_wait3A_274 = arith.constant 0 : i32
      %dma_wait3A_275 = tpu.memref_slice %arg5[%add3A_273, %dma_wait3A_274] : memref<50x128xi32, #tpu.memory_space<vmem>> -> memref<1x128xi32, #tpu.memory_space<vmem>>
      %dma_wait3A_276 = tpu.memref_squeeze %dma_wait3A_275 : memref<1x128xi32, #tpu.memory_space<vmem>> -> memref<128xi32, #tpu.memory_space<vmem>>
      %dma_wait3A_277 = arith.constant 0 : i32
      %dma_wait3A_278 = arith.constant 0 : i32
      %dma_wait3A_279 = tpu.memref_slice %arg3[%dma_wait3A_277, %dma_wait3A_278] : memref<100000x128xf32, #tpu.memory_space<hbm>> -> memref<100000x128xf32, #tpu.memory_space<hbm>>
      tpu.wait_indirect_dma semaphore(%arg16 : memref<!tpu.dma_semaphore, #tpu.memory_space<semaphore_mem>>) src(%dma_wait3A_279 : memref<100000x128xf32, #tpu.memory_space<hbm>>) dst(%arg10 : memref<128x128xf32, #tpu.memory_space<vmem>>)
      %add3A_280 = arith.constant 1 : i32
      %add3A_281 = arith.addi %add3A_236, %add3A_280 : i32
      %sub3A_282 = arith.constant 3 : i32
      %sub3A_283 = arith.subi %add3A_281, %sub3A_282 : i32
      %dma_wait3A_284 = arith.constant 0 : i32
      %dma_wait3A_285 = tpu.memref_slice %arg4[%sub3A_283, %mul3A_2, %dma_wait3A_284] : memref<50x4096x128xf32, #tpu.memory_space<hbm>> -> memref<1x128x128xf32, #tpu.memory_space<hbm>>
      %dma_wait3A_286 = tpu.memref_squeeze %dma_wait3A_285 : memref<1x128x128xf32, #tpu.memory_space<hbm>> -> memref<128x128xf32, #tpu.memory_space<hbm>>
      %dma_wait3A_287 = arith.constant 0 : i32
      %dma_wait3A_288 = tpu.memref_slice %arg4[%sub3A_283, %mul3A_2, %dma_wait3A_287] : memref<50x4096x128xf32, #tpu.memory_space<hbm>> -> memref<1x128x128xf32, #tpu.memory_space<hbm>>
      %dma_wait3A_289 = tpu.memref_squeeze %dma_wait3A_288 : memref<1x128x128xf32, #tpu.memory_space<hbm>> -> memref<128x128xf32, #tpu.memory_space<hbm>>
      tpu.wait_dma2 semaphore(%arg19 : memref<!tpu.dma_semaphore, #tpu.memory_space<semaphore_mem>>) src(%arg7 : memref<128x128xf32, #tpu.memory_space<vmem>>) dst(%dma_wait3A_289 : memref<128x128xf32, #tpu.memory_space<hbm>>)
      %add3A_290 = arith.constant 1 : i32
      %add3A_291 = arith.addi %add3A_236, %add3A_290 : i32
      %add3A_292 = arith.constant 3 : i32
      %add3A_293 = arith.addi %add3A_291, %add3A_292 : i32
      %dma_start3A_294 = arith.constant 0 : i32
      %dma_start3A_295 = tpu.memref_slice %arg5[%add3A_293, %dma_start3A_294] : memref<50x128xi32, #tpu.memory_space<vmem>> -> memref<1x128xi32, #tpu.memory_space<vmem>>
      %dma_start3A_296 = tpu.memref_squeeze %dma_start3A_295 : memref<1x128xi32, #tpu.memory_space<vmem>> -> memref<128xi32, #tpu.memory_space<vmem>>
      %dma_start3A_297 = arith.constant 0 : i32
      %dma_start3A_298 = arith.constant 0 : i32
      %dma_start3A_299 = tpu.memref_slice %arg3[%dma_start3A_297, %dma_start3A_298] : memref<100000x128xf32, #tpu.memory_space<hbm>> -> memref<100000x128xf32, #tpu.memory_space<hbm>>
      tpu.enqueue_indirect_dma source(%dma_start3A_299 : memref<100000x128xf32, #tpu.memory_space<hbm>>) target(%arg7 : memref<128x128xf32, #tpu.memory_space<vmem>>) offsets(%dma_start3A_296 : memref<128xi32, #tpu.memory_space<vmem>>) semaphore(%arg13 : memref<!tpu.dma_semaphore, #tpu.memory_space<semaphore_mem>>)
      %add3A_300 = arith.constant 1 : i32
      %add3A_301 = arith.addi %add3A_236, %add3A_300 : i32
      %dma_start3A_302 = arith.constant 0 : i32
      %dma_start3A_303 = tpu.memref_slice %arg4[%add3A_301, %mul3A_2, %dma_start3A_302] : memref<50x4096x128xf32, #tpu.memory_space<hbm>> -> memref<1x128x128xf32, #tpu.memory_space<hbm>>
      %dma_start3A_304 = tpu.memref_squeeze %dma_start3A_303 : memref<1x128x128xf32, #tpu.memory_space<hbm>> -> memref<128x128xf32, #tpu.memory_space<hbm>>
      %dma_start3A_305 = arith.constant 0 : i32
      %dma_start3A_306 = tpu.memref_slice %arg4[%add3A_301, %mul3A_2, %dma_start3A_305] : memref<50x4096x128xf32, #tpu.memory_space<hbm>> -> memref<1x128x128xf32, #tpu.memory_space<hbm>>
      %dma_start3A_307 = tpu.memref_squeeze %dma_start3A_306 : memref<1x128x128xf32, #tpu.memory_space<hbm>> -> memref<128x128xf32, #tpu.memory_space<hbm>>
      tpu.enqueue_dma source(%arg10 : memref<128x128xf32, #tpu.memory_space<vmem>>) target(%dma_start3A_307 : memref<128x128xf32, #tpu.memory_space<hbm>>) target_semaphore(%arg22 : memref<!tpu.dma_semaphore, #tpu.memory_space<semaphore_mem>>)
      %add3A_308 = arith.constant 2 : i32
      %add3A_309 = arith.addi %add3A_236, %add3A_308 : i32
      %dma_wait3A_310 = arith.constant 0 : i32
      %dma_wait3A_311 = tpu.memref_slice %arg5[%add3A_309, %dma_wait3A_310] : memref<50x128xi32, #tpu.memory_space<vmem>> -> memref<1x128xi32, #tpu.memory_space<vmem>>
      %dma_wait3A_312 = tpu.memref_squeeze %dma_wait3A_311 : memref<1x128xi32, #tpu.memory_space<vmem>> -> memref<128xi32, #tpu.memory_space<vmem>>
      %dma_wait3A_313 = arith.constant 0 : i32
      %dma_wait3A_314 = arith.constant 0 : i32
      %dma_wait3A_315 = tpu.memref_slice %arg3[%dma_wait3A_313, %dma_wait3A_314] : memref<100000x128xf32, #tpu.memory_space<hbm>> -> memref<100000x128xf32, #tpu.memory_space<hbm>>
      tpu.wait_indirect_dma semaphore(%arg17 : memref<!tpu.dma_semaphore, #tpu.memory_space<semaphore_mem>>) src(%dma_wait3A_315 : memref<100000x128xf32, #tpu.memory_space<hbm>>) dst(%arg11 : memref<128x128xf32, #tpu.memory_space<vmem>>)
      %add3A_316 = arith.constant 2 : i32
      %add3A_317 = arith.addi %add3A_236, %add3A_316 : i32
      %sub3A_318 = arith.constant 3 : i32
      %sub3A_319 = arith.subi %add3A_317, %sub3A_318 : i32
      %dma_wait3A_320 = arith.constant 0 : i32
      %dma_wait3A_321 = tpu.memref_slice %arg4[%sub3A_319, %mul3A_2, %dma_wait3A_320] : memref<50x4096x128xf32, #tpu.memory_space<hbm>> -> memref<1x128x128xf32, #tpu.memory_space<hbm>>
      %dma_wait3A_322 = tpu.memref_squeeze %dma_wait3A_321 : memref<1x128x128xf32, #tpu.memory_space<hbm>> -> memref<128x128xf32, #tpu.memory_space<hbm>>
      %dma_wait3A_323 = arith.constant 0 : i32
      %dma_wait3A_324 = tpu.memref_slice %arg4[%sub3A_319, %mul3A_2, %dma_wait3A_323] : memref<50x4096x128xf32, #tpu.memory_space<hbm>> -> memref<1x128x128xf32, #tpu.memory_space<hbm>>
      %dma_wait3A_325 = tpu.memref_squeeze %dma_wait3A_324 : memref<1x128x128xf32, #tpu.memory_space<hbm>> -> memref<128x128xf32, #tpu.memory_space<hbm>>
      tpu.wait_dma2 semaphore(%arg20 : memref<!tpu.dma_semaphore, #tpu.memory_space<semaphore_mem>>) src(%arg8 : memref<128x128xf32, #tpu.memory_space<vmem>>) dst(%dma_wait3A_325 : memref<128x128xf32, #tpu.memory_space<hbm>>)
      %add3A_326 = arith.constant 2 : i32
      %add3A_327 = arith.addi %add3A_236, %add3A_326 : i32
      %add3A_328 = arith.constant 3 : i32
      %add3A_329 = arith.addi %add3A_327, %add3A_328 : i32
      %dma_start3A_330 = arith.constant 0 : i32
      %dma_start3A_331 = tpu.memref_slice %arg5[%add3A_329, %dma_start3A_330] : memref<50x128xi32, #tpu.memory_space<vmem>> -> memref<1x128xi32, #tpu.memory_space<vmem>>
      %dma_start3A_332 = tpu.memref_squeeze %dma_start3A_331 : memref<1x128xi32, #tpu.memory_space<vmem>> -> memref<128xi32, #tpu.memory_space<vmem>>
      %dma_start3A_333 = arith.constant 0 : i32
      %dma_start3A_334 = arith.constant 0 : i32
      %dma_start3A_335 = tpu.memref_slice %arg3[%dma_start3A_333, %dma_start3A_334] : memref<100000x128xf32, #tpu.memory_space<hbm>> -> memref<100000x128xf32, #tpu.memory_space<hbm>>
      tpu.enqueue_indirect_dma source(%dma_start3A_335 : memref<100000x128xf32, #tpu.memory_space<hbm>>) target(%arg8 : memref<128x128xf32, #tpu.memory_space<vmem>>) offsets(%dma_start3A_332 : memref<128xi32, #tpu.memory_space<vmem>>) semaphore(%arg14 : memref<!tpu.dma_semaphore, #tpu.memory_space<semaphore_mem>>)
      %add3A_336 = arith.constant 2 : i32
      %add3A_337 = arith.addi %add3A_236, %add3A_336 : i32
      %dma_start3A_338 = arith.constant 0 : i32
      %dma_start3A_339 = tpu.memref_slice %arg4[%add3A_337, %mul3A_2, %dma_start3A_338] : memref<50x4096x128xf32, #tpu.memory_space<hbm>> -> memref<1x128x128xf32, #tpu.memory_space<hbm>>
      %dma_start3A_340 = tpu.memref_squeeze %dma_start3A_339 : memref<1x128x128xf32, #tpu.memory_space<hbm>> -> memref<128x128xf32, #tpu.memory_space<hbm>>
      %dma_start3A_341 = arith.constant 0 : i32
      %dma_start3A_342 = tpu.memref_slice %arg4[%add3A_337, %mul3A_2, %dma_start3A_341] : memref<50x4096x128xf32, #tpu.memory_space<hbm>> -> memref<1x128x128xf32, #tpu.memory_space<hbm>>
      %dma_start3A_343 = tpu.memref_squeeze %dma_start3A_342 : memref<1x128x128xf32, #tpu.memory_space<hbm>> -> memref<128x128xf32, #tpu.memory_space<hbm>>
      tpu.enqueue_dma source(%arg11 : memref<128x128xf32, #tpu.memory_space<vmem>>) target(%dma_start3A_343 : memref<128x128xf32, #tpu.memory_space<hbm>>) target_semaphore(%arg23 : memref<!tpu.dma_semaphore, #tpu.memory_space<semaphore_mem>>)
      %add3A_344 = arith.constant 3 : i32
      %add3A_345 = arith.addi %add3A_236, %add3A_344 : i32
      %dma_wait3A_346 = arith.constant 0 : i32
      %dma_wait3A_347 = tpu.memref_slice %arg5[%add3A_345, %dma_wait3A_346] : memref<50x128xi32, #tpu.memory_space<vmem>> -> memref<1x128xi32, #tpu.memory_space<vmem>>
      %dma_wait3A_348 = tpu.memref_squeeze %dma_wait3A_347 : memref<1x128xi32, #tpu.memory_space<vmem>> -> memref<128xi32, #tpu.memory_space<vmem>>
      %dma_wait3A_349 = arith.constant 0 : i32
      %dma_wait3A_350 = arith.constant 0 : i32
      %dma_wait3A_351 = tpu.memref_slice %arg3[%dma_wait3A_349, %dma_wait3A_350] : memref<100000x128xf32, #tpu.memory_space<hbm>> -> memref<100000x128xf32, #tpu.memory_space<hbm>>
      tpu.wait_indirect_dma semaphore(%arg12 : memref<!tpu.dma_semaphore, #tpu.memory_space<semaphore_mem>>) src(%dma_wait3A_351 : memref<100000x128xf32, #tpu.memory_space<hbm>>) dst(%arg6 : memref<128x128xf32, #tpu.memory_space<vmem>>)
      %add3A_352 = arith.constant 3 : i32
      %add3A_353 = arith.addi %add3A_236, %add3A_352 : i32
      %sub3A_354 = arith.constant 3 : i32
      %sub3A_355 = arith.subi %add3A_353, %sub3A_354 : i32
      %dma_wait3A_356 = arith.constant 0 : i32
      %dma_wait3A_357 = tpu.memref_slice %arg4[%sub3A_355, %mul3A_2, %dma_wait3A_356] : memref<50x4096x128xf32, #tpu.memory_space<hbm>> -> memref<1x128x128xf32, #tpu.memory_space<hbm>>
      %dma_wait3A_358 = tpu.memref_squeeze %dma_wait3A_357 : memref<1x128x128xf32, #tpu.memory_space<hbm>> -> memref<128x128xf32, #tpu.memory_space<hbm>>
      %dma_wait3A_359 = arith.constant 0 : i32
      %dma_wait3A_360 = tpu.memref_slice %arg4[%sub3A_355, %mul3A_2, %dma_wait3A_359] : memref<50x4096x128xf32, #tpu.memory_space<hbm>> -> memref<1x128x128xf32, #tpu.memory_space<hbm>>
      %dma_wait3A_361 = tpu.memref_squeeze %dma_wait3A_360 : memref<1x128x128xf32, #tpu.memory_space<hbm>> -> memref<128x128xf32, #tpu.memory_space<hbm>>
      tpu.wait_dma2 semaphore(%arg21 : memref<!tpu.dma_semaphore, #tpu.memory_space<semaphore_mem>>) src(%arg9 : memref<128x128xf32, #tpu.memory_space<vmem>>) dst(%dma_wait3A_361 : memref<128x128xf32, #tpu.memory_space<hbm>>)
      %add3A_362 = arith.constant 3 : i32
      %add3A_363 = arith.addi %add3A_236, %add3A_362 : i32
      %add3A_364 = arith.constant 3 : i32
      %add3A_365 = arith.addi %add3A_363, %add3A_364 : i32
      %dma_start3A_366 = arith.constant 0 : i32
      %dma_start3A_367 = tpu.memref_slice %arg5[%add3A_365, %dma_start3A_366] : memref<50x128xi32, #tpu.memory_space<vmem>> -> memref<1x128xi32, #tpu.memory_space<vmem>>
      %dma_start3A_368 = tpu.memref_squeeze %dma_start3A_367 : memref<1x128xi32, #tpu.memory_space<vmem>> -> memref<128xi32, #tpu.memory_space<vmem>>
      %dma_start3A_369 = arith.constant 0 : i32
      %dma_start3A_370 = arith.constant 0 : i32
      %dma_start3A_371 = tpu.memref_slice %arg3[%dma_start3A_369, %dma_start3A_370] : memref<100000x128xf32, #tpu.memory_space<hbm>> -> memref<100000x128xf32, #tpu.memory_space<hbm>>
      tpu.enqueue_indirect_dma source(%dma_start3A_371 : memref<100000x128xf32, #tpu.memory_space<hbm>>) target(%arg9 : memref<128x128xf32, #tpu.memory_space<vmem>>) offsets(%dma_start3A_368 : memref<128xi32, #tpu.memory_space<vmem>>) semaphore(%arg15 : memref<!tpu.dma_semaphore, #tpu.memory_space<semaphore_mem>>)
      %add3A_372 = arith.constant 3 : i32
      %add3A_373 = arith.addi %add3A_236, %add3A_372 : i32
      %dma_start3A_374 = arith.constant 0 : i32
      %dma_start3A_375 = tpu.memref_slice %arg4[%add3A_373, %mul3A_2, %dma_start3A_374] : memref<50x4096x128xf32, #tpu.memory_space<hbm>> -> memref<1x128x128xf32, #tpu.memory_space<hbm>>
      %dma_start3A_376 = tpu.memref_squeeze %dma_start3A_375 : memref<1x128x128xf32, #tpu.memory_space<hbm>> -> memref<128x128xf32, #tpu.memory_space<hbm>>
      %dma_start3A_377 = arith.constant 0 : i32
      %dma_start3A_378 = tpu.memref_slice %arg4[%add3A_373, %mul3A_2, %dma_start3A_377] : memref<50x4096x128xf32, #tpu.memory_space<hbm>> -> memref<1x128x128xf32, #tpu.memory_space<hbm>>
      %dma_start3A_379 = tpu.memref_squeeze %dma_start3A_378 : memref<1x128x128xf32, #tpu.memory_space<hbm>> -> memref<128x128xf32, #tpu.memory_space<hbm>>
      tpu.enqueue_dma source(%arg6 : memref<128x128xf32, #tpu.memory_space<vmem>>) target(%dma_start3A_379 : memref<128x128xf32, #tpu.memory_space<hbm>>) target_semaphore(%arg18 : memref<!tpu.dma_semaphore, #tpu.memory_space<semaphore_mem>>)
      %add3A_380 = arith.constant 4 : i32
      %add3A_381 = arith.addi %add3A_236, %add3A_380 : i32
      %dma_wait3A_382 = arith.constant 0 : i32
      %dma_wait3A_383 = tpu.memref_slice %arg5[%add3A_381, %dma_wait3A_382] : memref<50x128xi32, #tpu.memory_space<vmem>> -> memref<1x128xi32, #tpu.memory_space<vmem>>
      %dma_wait3A_384 = tpu.memref_squeeze %dma_wait3A_383 : memref<1x128xi32, #tpu.memory_space<vmem>> -> memref<128xi32, #tpu.memory_space<vmem>>
      %dma_wait3A_385 = arith.constant 0 : i32
      %dma_wait3A_386 = arith.constant 0 : i32
      %dma_wait3A_387 = tpu.memref_slice %arg3[%dma_wait3A_385, %dma_wait3A_386] : memref<100000x128xf32, #tpu.memory_space<hbm>> -> memref<100000x128xf32, #tpu.memory_space<hbm>>
      tpu.wait_indirect_dma semaphore(%arg13 : memref<!tpu.dma_semaphore, #tpu.memory_space<semaphore_mem>>) src(%dma_wait3A_387 : memref<100000x128xf32, #tpu.memory_space<hbm>>) dst(%arg7 : memref<128x128xf32, #tpu.memory_space<vmem>>)
      %add3A_388 = arith.constant 4 : i32
      %add3A_389 = arith.addi %add3A_236, %add3A_388 : i32
      %sub3A_390 = arith.constant 3 : i32
      %sub3A_391 = arith.subi %add3A_389, %sub3A_390 : i32
      %dma_wait3A_392 = arith.constant 0 : i32
      %dma_wait3A_393 = tpu.memref_slice %arg4[%sub3A_391, %mul3A_2, %dma_wait3A_392] : memref<50x4096x128xf32, #tpu.memory_space<hbm>> -> memref<1x128x128xf32, #tpu.memory_space<hbm>>
      %dma_wait3A_394 = tpu.memref_squeeze %dma_wait3A_393 : memref<1x128x128xf32, #tpu.memory_space<hbm>> -> memref<128x128xf32, #tpu.memory_space<hbm>>
      %dma_wait3A_395 = arith.constant 0 : i32
      %dma_wait3A_396 = tpu.memref_slice %arg4[%sub3A_391, %mul3A_2, %dma_wait3A_395] : memref<50x4096x128xf32, #tpu.memory_space<hbm>> -> memref<1x128x128xf32, #tpu.memory_space<hbm>>
      %dma_wait3A_397 = tpu.memref_squeeze %dma_wait3A_396 : memref<1x128x128xf32, #tpu.memory_space<hbm>> -> memref<128x128xf32, #tpu.memory_space<hbm>>
      tpu.wait_dma2 semaphore(%arg22 : memref<!tpu.dma_semaphore, #tpu.memory_space<semaphore_mem>>) src(%arg10 : memref<128x128xf32, #tpu.memory_space<vmem>>) dst(%dma_wait3A_397 : memref<128x128xf32, #tpu.memory_space<hbm>>)
      %add3A_398 = arith.constant 4 : i32
      %add3A_399 = arith.addi %add3A_236, %add3A_398 : i32
      %add3A_400 = arith.constant 3 : i32
      %add3A_401 = arith.addi %add3A_399, %add3A_400 : i32
      %dma_start3A_402 = arith.constant 0 : i32
      %dma_start3A_403 = tpu.memref_slice %arg5[%add3A_401, %dma_start3A_402] : memref<50x128xi32, #tpu.memory_space<vmem>> -> memref<1x128xi32, #tpu.memory_space<vmem>>
      %dma_start3A_404 = tpu.memref_squeeze %dma_start3A_403 : memref<1x128xi32, #tpu.memory_space<vmem>> -> memref<128xi32, #tpu.memory_space<vmem>>
      %dma_start3A_405 = arith.constant 0 : i32
      %dma_start3A_406 = arith.constant 0 : i32
      %dma_start3A_407 = tpu.memref_slice %arg3[%dma_start3A_405, %dma_start3A_406] : memref<100000x128xf32, #tpu.memory_space<hbm>> -> memref<100000x128xf32, #tpu.memory_space<hbm>>
      tpu.enqueue_indirect_dma source(%dma_start3A_407 : memref<100000x128xf32, #tpu.memory_space<hbm>>) target(%arg10 : memref<128x128xf32, #tpu.memory_space<vmem>>) offsets(%dma_start3A_404 : memref<128xi32, #tpu.memory_space<vmem>>) semaphore(%arg16 : memref<!tpu.dma_semaphore, #tpu.memory_space<semaphore_mem>>)
      %add3A_408 = arith.constant 4 : i32
      %add3A_409 = arith.addi %add3A_236, %add3A_408 : i32
      %dma_start3A_410 = arith.constant 0 : i32
      %dma_start3A_411 = tpu.memref_slice %arg4[%add3A_409, %mul3A_2, %dma_start3A_410] : memref<50x4096x128xf32, #tpu.memory_space<hbm>> -> memref<1x128x128xf32, #tpu.memory_space<hbm>>
      %dma_start3A_412 = tpu.memref_squeeze %dma_start3A_411 : memref<1x128x128xf32, #tpu.memory_space<hbm>> -> memref<128x128xf32, #tpu.memory_space<hbm>>
      %dma_start3A_413 = arith.constant 0 : i32
      %dma_start3A_414 = tpu.memref_slice %arg4[%add3A_409, %mul3A_2, %dma_start3A_413] : memref<50x4096x128xf32, #tpu.memory_space<hbm>> -> memref<1x128x128xf32, #tpu.memory_space<hbm>>
      %dma_start3A_415 = tpu.memref_squeeze %dma_start3A_414 : memref<1x128x128xf32, #tpu.memory_space<hbm>> -> memref<128x128xf32, #tpu.memory_space<hbm>>
      tpu.enqueue_dma source(%arg7 : memref<128x128xf32, #tpu.memory_space<vmem>>) target(%dma_start3A_415 : memref<128x128xf32, #tpu.memory_space<hbm>>) target_semaphore(%arg19 : memref<!tpu.dma_semaphore, #tpu.memory_space<semaphore_mem>>)
      %add3A_416 = arith.constant 5 : i32
      %add3A_417 = arith.addi %add3A_236, %add3A_416 : i32
      %dma_wait3A_418 = arith.constant 0 : i32
      %dma_wait3A_419 = tpu.memref_slice %arg5[%add3A_417, %dma_wait3A_418] : memref<50x128xi32, #tpu.memory_space<vmem>> -> memref<1x128xi32, #tpu.memory_space<vmem>>
      %dma_wait3A_420 = tpu.memref_squeeze %dma_wait3A_419 : memref<1x128xi32, #tpu.memory_space<vmem>> -> memref<128xi32, #tpu.memory_space<vmem>>
      %dma_wait3A_421 = arith.constant 0 : i32
      %dma_wait3A_422 = arith.constant 0 : i32
      %dma_wait3A_423 = tpu.memref_slice %arg3[%dma_wait3A_421, %dma_wait3A_422] : memref<100000x128xf32, #tpu.memory_space<hbm>> -> memref<100000x128xf32, #tpu.memory_space<hbm>>
      tpu.wait_indirect_dma semaphore(%arg14 : memref<!tpu.dma_semaphore, #tpu.memory_space<semaphore_mem>>) src(%dma_wait3A_423 : memref<100000x128xf32, #tpu.memory_space<hbm>>) dst(%arg8 : memref<128x128xf32, #tpu.memory_space<vmem>>)
      %add3A_424 = arith.constant 5 : i32
      %add3A_425 = arith.addi %add3A_236, %add3A_424 : i32
      %sub3A_426 = arith.constant 3 : i32
      %sub3A_427 = arith.subi %add3A_425, %sub3A_426 : i32
      %dma_wait3A_428 = arith.constant 0 : i32
      %dma_wait3A_429 = tpu.memref_slice %arg4[%sub3A_427, %mul3A_2, %dma_wait3A_428] : memref<50x4096x128xf32, #tpu.memory_space<hbm>> -> memref<1x128x128xf32, #tpu.memory_space<hbm>>
      %dma_wait3A_430 = tpu.memref_squeeze %dma_wait3A_429 : memref<1x128x128xf32, #tpu.memory_space<hbm>> -> memref<128x128xf32, #tpu.memory_space<hbm>>
      %dma_wait3A_431 = arith.constant 0 : i32
      %dma_wait3A_432 = tpu.memref_slice %arg4[%sub3A_427, %mul3A_2, %dma_wait3A_431] : memref<50x4096x128xf32, #tpu.memory_space<hbm>> -> memref<1x128x128xf32, #tpu.memory_space<hbm>>
      %dma_wait3A_433 = tpu.memref_squeeze %dma_wait3A_432 : memref<1x128x128xf32, #tpu.memory_space<hbm>> -> memref<128x128xf32, #tpu.memory_space<hbm>>
      tpu.wait_dma2 semaphore(%arg23 : memref<!tpu.dma_semaphore, #tpu.memory_space<semaphore_mem>>) src(%arg11 : memref<128x128xf32, #tpu.memory_space<vmem>>) dst(%dma_wait3A_433 : memref<128x128xf32, #tpu.memory_space<hbm>>)
      %add3A_434 = arith.constant 5 : i32
      %add3A_435 = arith.addi %add3A_236, %add3A_434 : i32
      %add3A_436 = arith.constant 3 : i32
      %add3A_437 = arith.addi %add3A_435, %add3A_436 : i32
      %dma_start3A_438 = arith.constant 0 : i32
      %dma_start3A_439 = tpu.memref_slice %arg5[%add3A_437, %dma_start3A_438] : memref<50x128xi32, #tpu.memory_space<vmem>> -> memref<1x128xi32, #tpu.memory_space<vmem>>
      %dma_start3A_440 = tpu.memref_squeeze %dma_start3A_439 : memref<1x128xi32, #tpu.memory_space<vmem>> -> memref<128xi32, #tpu.memory_space<vmem>>
      %dma_start3A_441 = arith.constant 0 : i32
      %dma_start3A_442 = arith.constant 0 : i32
      %dma_start3A_443 = tpu.memref_slice %arg3[%dma_start3A_441, %dma_start3A_442] : memref<100000x128xf32, #tpu.memory_space<hbm>> -> memref<100000x128xf32, #tpu.memory_space<hbm>>
      tpu.enqueue_indirect_dma source(%dma_start3A_443 : memref<100000x128xf32, #tpu.memory_space<hbm>>) target(%arg11 : memref<128x128xf32, #tpu.memory_space<vmem>>) offsets(%dma_start3A_440 : memref<128xi32, #tpu.memory_space<vmem>>) semaphore(%arg17 : memref<!tpu.dma_semaphore, #tpu.memory_space<semaphore_mem>>)
      %add3A_444 = arith.constant 5 : i32
      %add3A_445 = arith.addi %add3A_236, %add3A_444 : i32
      %dma_start3A_446 = arith.constant 0 : i32
      %dma_start3A_447 = tpu.memref_slice %arg4[%add3A_445, %mul3A_2, %dma_start3A_446] : memref<50x4096x128xf32, #tpu.memory_space<hbm>> -> memref<1x128x128xf32, #tpu.memory_space<hbm>>
      %dma_start3A_448 = tpu.memref_squeeze %dma_start3A_447 : memref<1x128x128xf32, #tpu.memory_space<hbm>> -> memref<128x128xf32, #tpu.memory_space<hbm>>
      %dma_start3A_449 = arith.constant 0 : i32
      %dma_start3A_450 = tpu.memref_slice %arg4[%add3A_445, %mul3A_2, %dma_start3A_449] : memref<50x4096x128xf32, #tpu.memory_space<hbm>> -> memref<1x128x128xf32, #tpu.memory_space<hbm>>
      %dma_start3A_451 = tpu.memref_squeeze %dma_start3A_450 : memref<1x128x128xf32, #tpu.memory_space<hbm>> -> memref<128x128xf32, #tpu.memory_space<hbm>>
      tpu.enqueue_dma source(%arg8 : memref<128x128xf32, #tpu.memory_space<vmem>>) target(%dma_start3A_451 : memref<128x128xf32, #tpu.memory_space<hbm>>) target_semaphore(%arg20 : memref<!tpu.dma_semaphore, #tpu.memory_space<semaphore_mem>>)
      %scan3A_452 = arith.constant 0 : i32
      scf.yield %scan3A_452 : i32
    }
    %scan3A_90 = arith.constant 7 : i32
    %dma_wait3A_91 = arith.constant 45 : i32
    %dma_wait3A_92 = arith.constant 0 : i32
    %dma_wait3A_93 = tpu.memref_slice %arg5[%dma_wait3A_91, %dma_wait3A_92] : memref<50x128xi32, #tpu.memory_space<vmem>> -> memref<1x128xi32, #tpu.memory_space<vmem>>
    %dma_wait3A_94 = tpu.memref_squeeze %dma_wait3A_93 : memref<1x128xi32, #tpu.memory_space<vmem>> -> memref<128xi32, #tpu.memory_space<vmem>>
    %dma_wait3A_95 = arith.constant 0 : i32
    %dma_wait3A_96 = arith.constant 0 : i32
    %dma_wait3A_97 = tpu.memref_slice %arg3[%dma_wait3A_95, %dma_wait3A_96] : memref<100000x128xf32, #tpu.memory_space<hbm>> -> memref<100000x128xf32, #tpu.memory_space<hbm>>
    tpu.wait_indirect_dma semaphore(%arg15 : memref<!tpu.dma_semaphore, #tpu.memory_space<semaphore_mem>>) src(%dma_wait3A_97 : memref<100000x128xf32, #tpu.memory_space<hbm>>) dst(%arg9 : memref<128x128xf32, #tpu.memory_space<vmem>>)
    %dma_wait3A_98 = arith.constant 42 : i32
    %dma_wait3A_99 = arith.constant 0 : i32
    %dma_wait3A_100 = tpu.memref_slice %arg4[%dma_wait3A_98, %mul3A_2, %dma_wait3A_99] : memref<50x4096x128xf32, #tpu.memory_space<hbm>> -> memref<1x128x128xf32, #tpu.memory_space<hbm>>
    %dma_wait3A_101 = tpu.memref_squeeze %dma_wait3A_100 : memref<1x128x128xf32, #tpu.memory_space<hbm>> -> memref<128x128xf32, #tpu.memory_space<hbm>>
    %dma_wait3A_102 = arith.constant 0 : i32
    %dma_wait3A_103 = tpu.memref_slice %arg4[%dma_wait3A_98, %mul3A_2, %dma_wait3A_102] : memref<50x4096x128xf32, #tpu.memory_space<hbm>> -> memref<1x128x128xf32, #tpu.memory_space<hbm>>
    %dma_wait3A_104 = tpu.memref_squeeze %dma_wait3A_103 : memref<1x128x128xf32, #tpu.memory_space<hbm>> -> memref<128x128xf32, #tpu.memory_space<hbm>>
    tpu.wait_dma2 semaphore(%arg18 : memref<!tpu.dma_semaphore, #tpu.memory_space<semaphore_mem>>) src(%arg6 : memref<128x128xf32, #tpu.memory_space<vmem>>) dst(%dma_wait3A_104 : memref<128x128xf32, #tpu.memory_space<hbm>>)
    %dma_start3A_105 = arith.constant 48 : i32
    %dma_start3A_106 = arith.constant 0 : i32
    %dma_start3A_107 = tpu.memref_slice %arg5[%dma_start3A_105, %dma_start3A_106] : memref<50x128xi32, #tpu.memory_space<vmem>> -> memref<1x128xi32, #tpu.memory_space<vmem>>
    %dma_start3A_108 = tpu.memref_squeeze %dma_start3A_107 : memref<1x128xi32, #tpu.memory_space<vmem>> -> memref<128xi32, #tpu.memory_space<vmem>>
    %dma_start3A_109 = arith.constant 0 : i32
    %dma_start3A_110 = arith.constant 0 : i32
    %dma_start3A_111 = tpu.memref_slice %arg3[%dma_start3A_109, %dma_start3A_110] : memref<100000x128xf32, #tpu.memory_space<hbm>> -> memref<100000x128xf32, #tpu.memory_space<hbm>>
    tpu.enqueue_indirect_dma source(%dma_start3A_111 : memref<100000x128xf32, #tpu.memory_space<hbm>>) target(%arg6 : memref<128x128xf32, #tpu.memory_space<vmem>>) offsets(%dma_start3A_108 : memref<128xi32, #tpu.memory_space<vmem>>) semaphore(%arg12 : memref<!tpu.dma_semaphore, #tpu.memory_space<semaphore_mem>>)
    %dma_start3A_112 = arith.constant 45 : i32
    %dma_start3A_113 = arith.constant 0 : i32
    %dma_start3A_114 = tpu.memref_slice %arg4[%dma_start3A_112, %mul3A_2, %dma_start3A_113] : memref<50x4096x128xf32, #tpu.memory_space<hbm>> -> memref<1x128x128xf32, #tpu.memory_space<hbm>>
    %dma_start3A_115 = tpu.memref_squeeze %dma_start3A_114 : memref<1x128x128xf32, #tpu.memory_space<hbm>> -> memref<128x128xf32, #tpu.memory_space<hbm>>
    %dma_start3A_116 = arith.constant 0 : i32
    %dma_start3A_117 = tpu.memref_slice %arg4[%dma_start3A_112, %mul3A_2, %dma_start3A_116] : memref<50x4096x128xf32, #tpu.memory_space<hbm>> -> memref<1x128x128xf32, #tpu.memory_space<hbm>>
    %dma_start3A_118 = tpu.memref_squeeze %dma_start3A_117 : memref<1x128x128xf32, #tpu.memory_space<hbm>> -> memref<128x128xf32, #tpu.memory_space<hbm>>
    tpu.enqueue_dma source(%arg9 : memref<128x128xf32, #tpu.memory_space<vmem>>) target(%dma_start3A_118 : memref<128x128xf32, #tpu.memory_space<hbm>>) target_semaphore(%arg21 : memref<!tpu.dma_semaphore, #tpu.memory_space<semaphore_mem>>)
    %dma_wait3A_119 = arith.constant 46 : i32
    %dma_wait3A_120 = arith.constant 0 : i32
    %dma_wait3A_121 = tpu.memref_slice %arg5[%dma_wait3A_119, %dma_wait3A_120] : memref<50x128xi32, #tpu.memory_space<vmem>> -> memref<1x128xi32, #tpu.memory_space<vmem>>
    %dma_wait3A_122 = tpu.memref_squeeze %dma_wait3A_121 : memref<1x128xi32, #tpu.memory_space<vmem>> -> memref<128xi32, #tpu.memory_space<vmem>>
    %dma_wait3A_123 = arith.constant 0 : i32
    %dma_wait3A_124 = arith.constant 0 : i32
    %dma_wait3A_125 = tpu.memref_slice %arg3[%dma_wait3A_123, %dma_wait3A_124] : memref<100000x128xf32, #tpu.memory_space<hbm>> -> memref<100000x128xf32, #tpu.memory_space<hbm>>
    tpu.wait_indirect_dma semaphore(%arg16 : memref<!tpu.dma_semaphore, #tpu.memory_space<semaphore_mem>>) src(%dma_wait3A_125 : memref<100000x128xf32, #tpu.memory_space<hbm>>) dst(%arg10 : memref<128x128xf32, #tpu.memory_space<vmem>>)
    %dma_wait3A_126 = arith.constant 43 : i32
    %dma_wait3A_127 = arith.constant 0 : i32
    %dma_wait3A_128 = tpu.memref_slice %arg4[%dma_wait3A_126, %mul3A_2, %dma_wait3A_127] : memref<50x4096x128xf32, #tpu.memory_space<hbm>> -> memref<1x128x128xf32, #tpu.memory_space<hbm>>
    %dma_wait3A_129 = tpu.memref_squeeze %dma_wait3A_128 : memref<1x128x128xf32, #tpu.memory_space<hbm>> -> memref<128x128xf32, #tpu.memory_space<hbm>>
    %dma_wait3A_130 = arith.constant 0 : i32
    %dma_wait3A_131 = tpu.memref_slice %arg4[%dma_wait3A_126, %mul3A_2, %dma_wait3A_130] : memref<50x4096x128xf32, #tpu.memory_space<hbm>> -> memref<1x128x128xf32, #tpu.memory_space<hbm>>
    %dma_wait3A_132 = tpu.memref_squeeze %dma_wait3A_131 : memref<1x128x128xf32, #tpu.memory_space<hbm>> -> memref<128x128xf32, #tpu.memory_space<hbm>>
    tpu.wait_dma2 semaphore(%arg19 : memref<!tpu.dma_semaphore, #tpu.memory_space<semaphore_mem>>) src(%arg7 : memref<128x128xf32, #tpu.memory_space<vmem>>) dst(%dma_wait3A_132 : memref<128x128xf32, #tpu.memory_space<hbm>>)
    %dma_start3A_133 = arith.constant 49 : i32
    %dma_start3A_134 = arith.constant 0 : i32
    %dma_start3A_135 = tpu.memref_slice %arg5[%dma_start3A_133, %dma_start3A_134] : memref<50x128xi32, #tpu.memory_space<vmem>> -> memref<1x128xi32, #tpu.memory_space<vmem>>
    %dma_start3A_136 = tpu.memref_squeeze %dma_start3A_135 : memref<1x128xi32, #tpu.memory_space<vmem>> -> memref<128xi32, #tpu.memory_space<vmem>>
    %dma_start3A_137 = arith.constant 0 : i32
    %dma_start3A_138 = arith.constant 0 : i32
    %dma_start3A_139 = tpu.memref_slice %arg3[%dma_start3A_137, %dma_start3A_138] : memref<100000x128xf32, #tpu.memory_space<hbm>> -> memref<100000x128xf32, #tpu.memory_space<hbm>>
    tpu.enqueue_indirect_dma source(%dma_start3A_139 : memref<100000x128xf32, #tpu.memory_space<hbm>>) target(%arg7 : memref<128x128xf32, #tpu.memory_space<vmem>>) offsets(%dma_start3A_136 : memref<128xi32, #tpu.memory_space<vmem>>) semaphore(%arg13 : memref<!tpu.dma_semaphore, #tpu.memory_space<semaphore_mem>>)
    %dma_start3A_140 = arith.constant 46 : i32
    %dma_start3A_141 = arith.constant 0 : i32
    %dma_start3A_142 = tpu.memref_slice %arg4[%dma_start3A_140, %mul3A_2, %dma_start3A_141] : memref<50x4096x128xf32, #tpu.memory_space<hbm>> -> memref<1x128x128xf32, #tpu.memory_space<hbm>>
    %dma_start3A_143 = tpu.memref_squeeze %dma_start3A_142 : memref<1x128x128xf32, #tpu.memory_space<hbm>> -> memref<128x128xf32, #tpu.memory_space<hbm>>
    %dma_start3A_144 = arith.constant 0 : i32
    %dma_start3A_145 = tpu.memref_slice %arg4[%dma_start3A_140, %mul3A_2, %dma_start3A_144] : memref<50x4096x128xf32, #tpu.memory_space<hbm>> -> memref<1x128x128xf32, #tpu.memory_space<hbm>>
    %dma_start3A_146 = tpu.memref_squeeze %dma_start3A_145 : memref<1x128x128xf32, #tpu.memory_space<hbm>> -> memref<128x128xf32, #tpu.memory_space<hbm>>
    tpu.enqueue_dma source(%arg10 : memref<128x128xf32, #tpu.memory_space<vmem>>) target(%dma_start3A_146 : memref<128x128xf32, #tpu.memory_space<hbm>>) target_semaphore(%arg22 : memref<!tpu.dma_semaphore, #tpu.memory_space<semaphore_mem>>)
    %dma_wait3A_147 = arith.constant 47 : i32
    %dma_wait3A_148 = arith.constant 0 : i32
    %dma_wait3A_149 = tpu.memref_slice %arg5[%dma_wait3A_147, %dma_wait3A_148] : memref<50x128xi32, #tpu.memory_space<vmem>> -> memref<1x128xi32, #tpu.memory_space<vmem>>
    %dma_wait3A_150 = tpu.memref_squeeze %dma_wait3A_149 : memref<1x128xi32, #tpu.memory_space<vmem>> -> memref<128xi32, #tpu.memory_space<vmem>>
    %dma_wait3A_151 = arith.constant 0 : i32
    %dma_wait3A_152 = arith.constant 0 : i32
    %dma_wait3A_153 = tpu.memref_slice %arg3[%dma_wait3A_151, %dma_wait3A_152] : memref<100000x128xf32, #tpu.memory_space<hbm>> -> memref<100000x128xf32, #tpu.memory_space<hbm>>
    tpu.wait_indirect_dma semaphore(%arg17 : memref<!tpu.dma_semaphore, #tpu.memory_space<semaphore_mem>>) src(%dma_wait3A_153 : memref<100000x128xf32, #tpu.memory_space<hbm>>) dst(%arg11 : memref<128x128xf32, #tpu.memory_space<vmem>>)
    %dma_wait3A_154 = arith.constant 44 : i32
    %dma_wait3A_155 = arith.constant 0 : i32
    %dma_wait3A_156 = tpu.memref_slice %arg4[%dma_wait3A_154, %mul3A_2, %dma_wait3A_155] : memref<50x4096x128xf32, #tpu.memory_space<hbm>> -> memref<1x128x128xf32, #tpu.memory_space<hbm>>
    %dma_wait3A_157 = tpu.memref_squeeze %dma_wait3A_156 : memref<1x128x128xf32, #tpu.memory_space<hbm>> -> memref<128x128xf32, #tpu.memory_space<hbm>>
    %dma_wait3A_158 = arith.constant 0 : i32
    %dma_wait3A_159 = tpu.memref_slice %arg4[%dma_wait3A_154, %mul3A_2, %dma_wait3A_158] : memref<50x4096x128xf32, #tpu.memory_space<hbm>> -> memref<1x128x128xf32, #tpu.memory_space<hbm>>
    %dma_wait3A_160 = tpu.memref_squeeze %dma_wait3A_159 : memref<1x128x128xf32, #tpu.memory_space<hbm>> -> memref<128x128xf32, #tpu.memory_space<hbm>>
    tpu.wait_dma2 semaphore(%arg20 : memref<!tpu.dma_semaphore, #tpu.memory_space<semaphore_mem>>) src(%arg8 : memref<128x128xf32, #tpu.memory_space<vmem>>) dst(%dma_wait3A_160 : memref<128x128xf32, #tpu.memory_space<hbm>>)
    %dma_start3A_161 = arith.constant 47 : i32
    %dma_start3A_162 = arith.constant 0 : i32
    %dma_start3A_163 = tpu.memref_slice %arg4[%dma_start3A_161, %mul3A_2, %dma_start3A_162] : memref<50x4096x128xf32, #tpu.memory_space<hbm>> -> memref<1x128x128xf32, #tpu.memory_space<hbm>>
    %dma_start3A_164 = tpu.memref_squeeze %dma_start3A_163 : memref<1x128x128xf32, #tpu.memory_space<hbm>> -> memref<128x128xf32, #tpu.memory_space<hbm>>
    %dma_start3A_165 = arith.constant 0 : i32
    %dma_start3A_166 = tpu.memref_slice %arg4[%dma_start3A_161, %mul3A_2, %dma_start3A_165] : memref<50x4096x128xf32, #tpu.memory_space<hbm>> -> memref<1x128x128xf32, #tpu.memory_space<hbm>>
    %dma_start3A_167 = tpu.memref_squeeze %dma_start3A_166 : memref<1x128x128xf32, #tpu.memory_space<hbm>> -> memref<128x128xf32, #tpu.memory_space<hbm>>
    tpu.enqueue_dma source(%arg11 : memref<128x128xf32, #tpu.memory_space<vmem>>) target(%dma_start3A_167 : memref<128x128xf32, #tpu.memory_space<hbm>>) target_semaphore(%arg23 : memref<!tpu.dma_semaphore, #tpu.memory_space<semaphore_mem>>)
    %dma_wait3A_168 = arith.constant 48 : i32
    %dma_wait3A_169 = arith.constant 0 : i32
    %dma_wait3A_170 = tpu.memref_slice %arg5[%dma_wait3A_168, %dma_wait3A_169] : memref<50x128xi32, #tpu.memory_space<vmem>> -> memref<1x128xi32, #tpu.memory_space<vmem>>
    %dma_wait3A_171 = tpu.memref_squeeze %dma_wait3A_170 : memref<1x128xi32, #tpu.memory_space<vmem>> -> memref<128xi32, #tpu.memory_space<vmem>>
    %dma_wait3A_172 = arith.constant 0 : i32
    %dma_wait3A_173 = arith.constant 0 : i32
    %dma_wait3A_174 = tpu.memref_slice %arg3[%dma_wait3A_172, %dma_wait3A_173] : memref<100000x128xf32, #tpu.memory_space<hbm>> -> memref<100000x128xf32, #tpu.memory_space<hbm>>
    tpu.wait_indirect_dma semaphore(%arg12 : memref<!tpu.dma_semaphore, #tpu.memory_space<semaphore_mem>>) src(%dma_wait3A_174 : memref<100000x128xf32, #tpu.memory_space<hbm>>) dst(%arg6 : memref<128x128xf32, #tpu.memory_space<vmem>>)
    %dma_wait3A_175 = arith.constant 45 : i32
    %dma_wait3A_176 = arith.constant 0 : i32
    %dma_wait3A_177 = tpu.memref_slice %arg4[%dma_wait3A_175, %mul3A_2, %dma_wait3A_176] : memref<50x4096x128xf32, #tpu.memory_space<hbm>> -> memref<1x128x128xf32, #tpu.memory_space<hbm>>
    %dma_wait3A_178 = tpu.memref_squeeze %dma_wait3A_177 : memref<1x128x128xf32, #tpu.memory_space<hbm>> -> memref<128x128xf32, #tpu.memory_space<hbm>>
    %dma_wait3A_179 = arith.constant 0 : i32
    %dma_wait3A_180 = tpu.memref_slice %arg4[%dma_wait3A_175, %mul3A_2, %dma_wait3A_179] : memref<50x4096x128xf32, #tpu.memory_space<hbm>> -> memref<1x128x128xf32, #tpu.memory_space<hbm>>
    %dma_wait3A_181 = tpu.memref_squeeze %dma_wait3A_180 : memref<1x128x128xf32, #tpu.memory_space<hbm>> -> memref<128x128xf32, #tpu.memory_space<hbm>>
    tpu.wait_dma2 semaphore(%arg21 : memref<!tpu.dma_semaphore, #tpu.memory_space<semaphore_mem>>) src(%arg9 : memref<128x128xf32, #tpu.memory_space<vmem>>) dst(%dma_wait3A_181 : memref<128x128xf32, #tpu.memory_space<hbm>>)
    %dma_start3A_182 = arith.constant 48 : i32
    %dma_start3A_183 = arith.constant 0 : i32
    %dma_start3A_184 = tpu.memref_slice %arg4[%dma_start3A_182, %mul3A_2, %dma_start3A_183] : memref<50x4096x128xf32, #tpu.memory_space<hbm>> -> memref<1x128x128xf32, #tpu.memory_space<hbm>>
    %dma_start3A_185 = tpu.memref_squeeze %dma_start3A_184 : memref<1x128x128xf32, #tpu.memory_space<hbm>> -> memref<128x128xf32, #tpu.memory_space<hbm>>
    %dma_start3A_186 = arith.constant 0 : i32
    %dma_start3A_187 = tpu.memref_slice %arg4[%dma_start3A_182, %mul3A_2, %dma_start3A_186] : memref<50x4096x128xf32, #tpu.memory_space<hbm>> -> memref<1x128x128xf32, #tpu.memory_space<hbm>>
    %dma_start3A_188 = tpu.memref_squeeze %dma_start3A_187 : memref<1x128x128xf32, #tpu.memory_space<hbm>> -> memref<128x128xf32, #tpu.memory_space<hbm>>
    tpu.enqueue_dma source(%arg6 : memref<128x128xf32, #tpu.memory_space<vmem>>) target(%dma_start3A_188 : memref<128x128xf32, #tpu.memory_space<hbm>>) target_semaphore(%arg18 : memref<!tpu.dma_semaphore, #tpu.memory_space<semaphore_mem>>)
    %dma_wait3A_189 = arith.constant 49 : i32
    %dma_wait3A_190 = arith.constant 0 : i32
    %dma_wait3A_191 = tpu.memref_slice %arg5[%dma_wait3A_189, %dma_wait3A_190] : memref<50x128xi32, #tpu.memory_space<vmem>> -> memref<1x128xi32, #tpu.memory_space<vmem>>
    %dma_wait3A_192 = tpu.memref_squeeze %dma_wait3A_191 : memref<1x128xi32, #tpu.memory_space<vmem>> -> memref<128xi32, #tpu.memory_space<vmem>>
    %dma_wait3A_193 = arith.constant 0 : i32
    %dma_wait3A_194 = arith.constant 0 : i32
    %dma_wait3A_195 = tpu.memref_slice %arg3[%dma_wait3A_193, %dma_wait3A_194] : memref<100000x128xf32, #tpu.memory_space<hbm>> -> memref<100000x128xf32, #tpu.memory_space<hbm>>
    tpu.wait_indirect_dma semaphore(%arg13 : memref<!tpu.dma_semaphore, #tpu.memory_space<semaphore_mem>>) src(%dma_wait3A_195 : memref<100000x128xf32, #tpu.memory_space<hbm>>) dst(%arg7 : memref<128x128xf32, #tpu.memory_space<vmem>>)
    %dma_wait3A_196 = arith.constant 46 : i32
    %dma_wait3A_197 = arith.constant 0 : i32
    %dma_wait3A_198 = tpu.memref_slice %arg4[%dma_wait3A_196, %mul3A_2, %dma_wait3A_197] : memref<50x4096x128xf32, #tpu.memory_space<hbm>> -> memref<1x128x128xf32, #tpu.memory_space<hbm>>
    %dma_wait3A_199 = tpu.memref_squeeze %dma_wait3A_198 : memref<1x128x128xf32, #tpu.memory_space<hbm>> -> memref<128x128xf32, #tpu.memory_space<hbm>>
    %dma_wait3A_200 = arith.constant 0 : i32
    %dma_wait3A_201 = tpu.memref_slice %arg4[%dma_wait3A_196, %mul3A_2, %dma_wait3A_200] : memref<50x4096x128xf32, #tpu.memory_space<hbm>> -> memref<1x128x128xf32, #tpu.memory_space<hbm>>
    %dma_wait3A_202 = tpu.memref_squeeze %dma_wait3A_201 : memref<1x128x128xf32, #tpu.memory_space<hbm>> -> memref<128x128xf32, #tpu.memory_space<hbm>>
    tpu.wait_dma2 semaphore(%arg22 : memref<!tpu.dma_semaphore, #tpu.memory_space<semaphore_mem>>) src(%arg10 : memref<128x128xf32, #tpu.memory_space<vmem>>) dst(%dma_wait3A_202 : memref<128x128xf32, #tpu.memory_space<hbm>>)
    %dma_start3A_203 = arith.constant 49 : i32
    %dma_start3A_204 = arith.constant 0 : i32
    %dma_start3A_205 = tpu.memref_slice %arg4[%dma_start3A_203, %mul3A_2, %dma_start3A_204] : memref<50x4096x128xf32, #tpu.memory_space<hbm>> -> memref<1x128x128xf32, #tpu.memory_space<hbm>>
    %dma_start3A_206 = tpu.memref_squeeze %dma_start3A_205 : memref<1x128x128xf32, #tpu.memory_space<hbm>> -> memref<128x128xf32, #tpu.memory_space<hbm>>
    %dma_start3A_207 = arith.constant 0 : i32
    %dma_start3A_208 = tpu.memref_slice %arg4[%dma_start3A_203, %mul3A_2, %dma_start3A_207] : memref<50x4096x128xf32, #tpu.memory_space<hbm>> -> memref<1x128x128xf32, #tpu.memory_space<hbm>>
    %dma_start3A_209 = tpu.memref_squeeze %dma_start3A_208 : memref<1x128x128xf32, #tpu.memory_space<hbm>> -> memref<128x128xf32, #tpu.memory_space<hbm>>
    tpu.enqueue_dma source(%arg7 : memref<128x128xf32, #tpu.memory_space<vmem>>) target(%dma_start3A_209 : memref<128x128xf32, #tpu.memory_space<hbm>>) target_semaphore(%arg19 : memref<!tpu.dma_semaphore, #tpu.memory_space<semaphore_mem>>)
    %dma_wait3A_210 = arith.constant 47 : i32
    %dma_wait3A_211 = arith.constant 0 : i32
    %dma_wait3A_212 = tpu.memref_slice %arg4[%dma_wait3A_210, %mul3A_2, %dma_wait3A_211] : memref<50x4096x128xf32, #tpu.memory_space<hbm>> -> memref<1x128x128xf32, #tpu.memory_space<hbm>>
    %dma_wait3A_213 = tpu.memref_squeeze %dma_wait3A_212 : memref<1x128x128xf32, #tpu.memory_space<hbm>> -> memref<128x128xf32, #tpu.memory_space<hbm>>
    %dma_wait3A_214 = arith.constant 0 : i32
    %dma_wait3A_215 = tpu.memref_slice %arg4[%dma_wait3A_210, %mul3A_2, %dma_wait3A_214] : memref<50x4096x128xf32, #tpu.memory_space<hbm>> -> memref<1x128x128xf32, #tpu.memory_space<hbm>>
    %dma_wait3A_216 = tpu.memref_squeeze %dma_wait3A_215 : memref<1x128x128xf32, #tpu.memory_space<hbm>> -> memref<128x128xf32, #tpu.memory_space<hbm>>
    tpu.wait_dma2 semaphore(%arg23 : memref<!tpu.dma_semaphore, #tpu.memory_space<semaphore_mem>>) src(%arg11 : memref<128x128xf32, #tpu.memory_space<vmem>>) dst(%dma_wait3A_216 : memref<128x128xf32, #tpu.memory_space<hbm>>)
    %dma_wait3A_217 = arith.constant 48 : i32
    %dma_wait3A_218 = arith.constant 0 : i32
    %dma_wait3A_219 = tpu.memref_slice %arg4[%dma_wait3A_217, %mul3A_2, %dma_wait3A_218] : memref<50x4096x128xf32, #tpu.memory_space<hbm>> -> memref<1x128x128xf32, #tpu.memory_space<hbm>>
    %dma_wait3A_220 = tpu.memref_squeeze %dma_wait3A_219 : memref<1x128x128xf32, #tpu.memory_space<hbm>> -> memref<128x128xf32, #tpu.memory_space<hbm>>
    %dma_wait3A_221 = arith.constant 0 : i32
    %dma_wait3A_222 = tpu.memref_slice %arg4[%dma_wait3A_217, %mul3A_2, %dma_wait3A_221] : memref<50x4096x128xf32, #tpu.memory_space<hbm>> -> memref<1x128x128xf32, #tpu.memory_space<hbm>>
    %dma_wait3A_223 = tpu.memref_squeeze %dma_wait3A_222 : memref<1x128x128xf32, #tpu.memory_space<hbm>> -> memref<128x128xf32, #tpu.memory_space<hbm>>
    tpu.wait_dma2 semaphore(%arg18 : memref<!tpu.dma_semaphore, #tpu.memory_space<semaphore_mem>>) src(%arg6 : memref<128x128xf32, #tpu.memory_space<vmem>>) dst(%dma_wait3A_223 : memref<128x128xf32, #tpu.memory_space<hbm>>)
    %dma_wait3A_224 = arith.constant 49 : i32
    %dma_wait3A_225 = arith.constant 0 : i32
    %dma_wait3A_226 = tpu.memref_slice %arg4[%dma_wait3A_224, %mul3A_2, %dma_wait3A_225] : memref<50x4096x128xf32, #tpu.memory_space<hbm>> -> memref<1x128x128xf32, #tpu.memory_space<hbm>>
    %dma_wait3A_227 = tpu.memref_squeeze %dma_wait3A_226 : memref<1x128x128xf32, #tpu.memory_space<hbm>> -> memref<128x128xf32, #tpu.memory_space<hbm>>
    %dma_wait3A_228 = arith.constant 0 : i32
    %dma_wait3A_229 = tpu.memref_slice %arg4[%dma_wait3A_224, %mul3A_2, %dma_wait3A_228] : memref<50x4096x128xf32, #tpu.memory_space<hbm>> -> memref<1x128x128xf32, #tpu.memory_space<hbm>>
    %dma_wait3A_230 = tpu.memref_squeeze %dma_wait3A_229 : memref<1x128x128xf32, #tpu.memory_space<hbm>> -> memref<128x128xf32, #tpu.memory_space<hbm>>
    tpu.wait_dma2 semaphore(%arg19 : memref<!tpu.dma_semaphore, #tpu.memory_space<semaphore_mem>>) src(%arg7 : memref<128x128xf32, #tpu.memory_space<vmem>>) dst(%dma_wait3A_230 : memref<128x128xf32, #tpu.memory_space<hbm>>)
    return
  }
}

</mosaic_0001>

<sc_bundles>
// kernel: kernel.3.cloned.1.call-start
scs
__scs_entry_jumppad:
0x0: {  	(pc) =	sbr.rel $0x88, $3  }
0x1: {  	(tag) =	ssettag $0x0;
	lr =	simm.s32 $0x1  }
0x2: {  	[smem:$0x3F9F] =	sst lr;
	_ =	strace $0xD0000000  }
0x3: {  	_ = 	snop  }
0x4: {  	_ = 	snop  }
0x5: {  	_ = 	snop  }
0x6: {  	_ = 	snop  }
0x7: {  	_ = 	snop  }
__scs_overlays_trampoline_lowered:
0x8: {  	[smem:$0x3FAE] =	sst s0  }
0x9: {  	[smem:$0x3FAF] =	sst s1  }
0xa: {  	[smem:$0x3FB0] =	sst s2  }
0xb: {  	[smem:$0x3FB1] =	sst s3  }
0xc: {  	[smem:$0x3FB2] =	sst s4  }
0xd: {  	[smem:$0x3FB3] =	sst s5  }
0xe: {  	[smem:$0x3FB4] =	sst s6  }
0xf: {  	[smem:$0x3FB5] =	sst s7  }
0x10: {  	[smem:$0x3FB6] =	sst s8  }
0x11: {  	[smem:$0x3FB7] =	sst s9;
	s0 =	simm.s32 @!p0 $0x0  }
0x12: {  	s1 =	sld [smem:$0x3F9D];
	s0 =	simm.s32 @p0 $0x1  }
0x13: {  	[smem:$0x3FB8] =	sst s0;
	s0 =	simm.s32 @!p1 $0x0  }
0x14: {  	s2 =	sld [smem:$0x3F9C];
	s0 =	simm.s32 @p1 $0x1  }
0x15: {  	[smem:$0x3FB9] =	sst s0;
	s0 =	simm.s32 @!p2 $0x0  }
0x16: {  	s3 =	sld [smem:$0x3FDB];
	s0 =	simm.s32 @p2 $0x1  }
0x17: {  	s4 =	simm.s32 $0x1BF5;
	[smem:$0x3FBB] =	sst s0  }
0x18: {  	s0 =	sld [smem:$0x3F9E];
	_ =	swait.ge [sflag:s4], $0x0  }
0x19: {  	s7 =	sld [smem:$0x3F9F]  }
0x1a: {  	s8 =	sadd.s32 $0xFFFFE003, lr  }
0x1b: {  	s9 =	sadd.s32 $0xFFFFFEF7, lr;
	s5 =	simm.s32 $0xFFFFFFFF;
	p2 =	slt.u32 s8, $0xFFFFF086  }
0x1c: {  	p1 =	slt.u32 s9, $0xF7A;
	s5 =	simm.s32 @!p2 $0x0  }
0x1d: {  	s5 =	simm.s32 @p1 $0x1;
	p0 =	seq.s32 s7, s2  }
0x1e: {  	s7 =	smul.u32 @!p0 $0xF7A, s2;
	p2 =	seq.s32 @!p0 s5, $0x0  }
0x1f: {  	s9 =	smul.u32 $0xF7A, s1;
	s8 =	simm.s32 @!p0 $0x1BF5;
	p2 =	por !p2, p0  }
0x20: {  	[sflag:s8] =	ssyncset.s32 @!p0 $0xFFFFF086;
	s6 =	sadd.s32 @!p0 s3, s7;
	s7 =	simm.s32 @!p0 $0x108  }
0x21: {  	s3 =	sadd.s32 s3, s9;
	s6 =	sadd.s32 @!p0 $0x88, s6;
	s7 =	simm.s32 @p2 $0x1082  }
0x22: {  	[simem:s7], [sflag:s8] =	dma.local @!p0 [hbm:s6], $0xF7A  }
0x23: {  	s9 =	sor.u32 $0xD0000000, s2;
	s6 =	simm.s32 $0x108;
	_ =	swait.ge @!p0 [sflag:s8], $0x0  }
0x24: {  	s3 =	sadd.s32 $0x88, s3;
	s6 =	simm.s32 @!p1 $0x1082;
	[sflag:s4] =	ssyncset.s32 $0xFFFFF086  }
0x25: {  	[simem:s6], [sflag:s4] =	dma.local [hbm:s3], $0xF7A  }
0x26: {  	[smem:$0x3F9F] =	sst s1;
	(tag) =	ssettag s2;
	_ =	strace s9  }
0x27: {  	s1 =	sld [smem:$0x3FAF]  }
0x28: {  	s2 =	sld [smem:$0x3FB0]  }
0x29: {  	s4 =	sld [smem:$0x3FB2]  }
0x2a: {  	p0 =	seq.s32 s5, $0x0;
	s5 =	sld [smem:$0x3FB3]  }
0x2b: {  	s6 =	sld [smem:$0x3FB4]  }
0x2c: {  	s7 =	sld [smem:$0x3FB5]  }
0x2d: {  	s3 =	simm.s32 $0x108;
	s8 =	sld [smem:$0x3FB6]  }
0x2e: {  	s3 =	simm.s32 @!p0 $0x1082;
	s9 =	sld [smem:$0x3FB7]  }
0x2f: {  	lr =	sadd.s32 s0, s3;
	s0 =	sld [smem:$0x3FAE]  }
0x30: {  	s3 =	sld [smem:$0x3FB1]  }
0x31: {  	[smem:$0x3FBA] =	sst s10  }
0x32: {  	s10 =	sld [smem:$0x3FB8];
	_ =	sdelay $0x3  }
0x33: {  	p0 =	seq.s32 s10, $0x1;
	s10 =	sld [smem:$0x3FBA];
	_ =	sdelay $0x3  }
0x34: {  	[smem:$0x3FBA] =	sst s10  }
0x35: {  	s10 =	sld [smem:$0x3FB9];
	_ =	sdelay $0x3  }
0x36: {  	p1 =	seq.s32 s10, $0x1;
	s10 =	sld [smem:$0x3FBA];
	_ =	sdelay $0x3  }
0x37: {  	[smem:$0x3FBA] =	sst s10  }
0x38: {  	s10 =	sld [smem:$0x3FBB]  }
0x39: {  	_ = 	snop;
	(pc) =	sbr.ind lr, $3  }
0x3a: {  	_ = 	snop  }
0x3b: {  	_ = 	snop  }
0x3c: {  	p2 =	seq.s32 s10, $0x1;
	s10 =	sld [smem:$0x3FBA]  }
0x3d: {  	_ =	shalt  }
0x3e: {  	_ =	shalt  }
0x3f: {  	_ =	shalt  }
0x40: {  	_ =	shalt  }
0x41: {  	_ =	shalt  }
0x42: {  	_ =	shalt  }
0x43: {  	_ =	shalt  }
0x44: {  	_ =	shalt  }
0x45: {  	_ =	shalt  }
0x46: {  	_ =	shalt  }
0x47: {  	_ =	shalt  }
0x48: {  	_ =	shalt  }
0x49: {  	_ =	shalt  }
0x4a: {  	_ =	shalt  }
0x4b: {  	_ =	shalt  }
0x4c: {  	_ =	shalt  }
0x4d: {  	_ =	shalt  }
0x4e: {  	_ =	shalt  }
0x4f: {  	_ =	shalt  }
0x50: {  	_ =	shalt  }
0x51: {  	_ =	shalt  }
0x52: {  	_ =	shalt  }
0x53: {  	_ =	shalt  }
0x54: {  	_ =	shalt  }
0x55: {  	_ =	shalt  }
0x56: {  	_ =	shalt  }
0x57: {  	_ =	shalt  }
0x58: {  	_ =	shalt  }
0x59: {  	_ =	shalt  }
0x5a: {  	_ =	shalt  }
0x5b: {  	_ =	shalt  }
0x5c: {  	_ =	shalt  }
0x5d: {  	_ =	shalt  }
0x5e: {  	_ =	shalt  }
0x5f: {  	_ =	shalt  }
0x60: {  	_ =	shalt  }
0x61: {  	_ =	shalt  }
0x62: {  	_ =	shalt  }
0x63: {  	_ =	shalt  }
0x64: {  	_ =	shalt  }
0x65: {  	_ =	shalt  }
0x66: {  	_ =	shalt  }
0x67: {  	_ =	shalt  }
0x68: {  	_ =	shalt  }
0x69: {  	_ =	shalt  }
0x6a: {  	_ =	shalt  }
0x6b: {  	_ =	shalt  }
0x6c: {  	_ =	shalt  }
0x6d: {  	_ =	shalt  }
0x6e: {  	_ =	shalt  }
0x6f: {  	_ =	shalt  }
0x70: {  	_ =	shalt  }
0x71: {  	_ =	shalt  }
0x72: {  	_ =	shalt  }
0x73: {  	_ =	shalt  }
0x74: {  	_ =	shalt  }
0x75: {  	_ =	shalt  }
0x76: {  	_ =	shalt  }
0x77: {  	_ =	shalt  }
0x78: {  	_ =	shalt  }
0x79: {  	_ =	shalt  }
0x7a: {  	_ =	shalt  }
0x7b: {  	_ =	shalt  }
0x7c: {  	_ =	shalt  }
0x7d: {  	_ =	shalt  }
0x7e: {  	_ =	shalt  }
0x7f: {  	_ =	shalt  }
0x80: {  	_ =	shalt  }
0x81: {  	_ =	shalt  }
0x82: {  	_ =	shalt  }
0x83: {  	_ =	shalt  }
0x84: {  	_ =	shalt  }
0x85: {  	_ =	shalt  }
0x86: {  	_ =	shalt  }
0x87: {  	_ =	shalt  }
.Lfunc_end0:
.L_simem_size_0:
called_computation_lowered:
.L_overlay_start_0:
0x88: {  	s2 =	sld [smem:$0x3FD9]  }
0x89: {  	s3 =	sld [smem:$0x3FFE];
	_ =	sdelay $0x1  }
0x8a: {  	s1 =	srdreg.scid  }
0x8b: {  	s0 =	sand.u32 $0x1, s1  }
0x8c: {  	s17 =	sshll.u32 s0, $0xA;
	s2 =	sadd.s32 s3, s2  }
0x8d: {  	s2 =	sadd.s32 s2, s17  }
0x8e: {  	[smem:$0x3FC6] =	sst s2  }
0x8f: {  	_ = 	snop  }
0x90: {  	s2 =	sld [smem:$0x3FC8]  }
0x91: {  	s18 =	sld [smem:$0x3FD0];
	(tm) =	ssettm $0x1  }
0x92: {  	s4 =	sld [smem:$0x3FFB];
	_ =	sdelay $0x3  }
0x93: {  	_ =	strace s4  }
0x94: {  	s4 =	sld [smem:$0x3FFC];
	_ =	sdelay $0x3  }
0x95: {  	_ =	strace s4  }
0x96: {  	s4 =	sld [smem:$0x3FFD];
	_ =	sdelay $0x3  }
0x97: {  	_ =	strace s4  }
0x98: {  	_ =	strace $0x8FFFFFFF  }
0x99: {  	s19 =	sld [smem:$0x3FDB];
	_ =	sdelay $0x1  }
0x9a: {  	s5 =	simm.s32 $_scs_section_size  }
0x9b: {  	s6 =	simm.s32 $_size__tile_overlayer_lowered;
	s7 =	simm.s32 $_tile_overlayer_lowered  }
0x9c: {  	s22 =	simm.s32 $0x1BFF;
	s21 =	sshll.u32 s7, $0x1;
	s4 =	sadd.s32 s5, s19  }
0x9d: {  	s8 =	simm.s32 $0x0;
	s20 =	sshll.u32 s6, $0x1;
	s6 =	sadd.s32 s21, s4  }
0x9e: {  	[timem:s8], [sflag:s22] =	dma.local [hbm:s6], s20  }
0x9f: {  	_ =	swait.ge [sflag:s22], s20  }
0xa0: {  	s5 =	ssub.s32 $0x0, s20;
	[sflag:s22] =	ssyncset.done $0x0  }
0xa1: {  	[sflag:s22] =	ssyncadd.s32 s5;
	_ =	sdelay $0x1  }
0xa2: {  	s23 =	simm.s32 $0x1B8B  }
0xa3: {  	_ =	swait.ge [sflag:s23], $0x1  }
0xa4: {  	[sflag:s23] =	ssyncset.done $0x0  }
0xa5: {  	s25 =	simm.s32 $0x1B8E;
	s24 =	sld [smem:$0x3FFE];
	[sflag:s23] =	ssyncadd.s32 $0xFFFFFFFF  }
0xa6: {  	s26 =	simm.s32 $execute0_lowered;
	[smem:$0x3FD2] =	sst s25  }
0xa7: {  	s6 =	sshll.u32 s26, $0x1;
	_ =	strace $0x80000046;
	[dreg:$0x1] =	wrdreg $0xFFFFFFFF  }
0xa8: {  	s28 =	simm.s32 $_size_execute0_lowered;
	s4 =	sadd.s32 s4, s6;
	[dreg:$0x0] =	wrdreg $0x0  }
0xa9: {  	s6 =	sshll.u32 s28, $0x1;
	[dreg:$0x2] =	wrdreg s4  }
0xaa: {  	[dreg:$0x3] =	wrdreg s6  }
0xab: {  	[dreg:$0x4] =	wrdreg $0xC0  }
0xac: {  	_ =	task [dreg:s8], $0x5FFFF  }
0xad: {  	[dreg:$0x1] =	wrdreg $0xFFFFFFFF  }
0xae: {  	[dreg:$0x0] =	wrdreg $0x60  }
0xaf: {  	[dreg:$0x2] =	wrdreg s24  }
0xb0: {  	[dreg:$0x3] =	wrdreg s2  }
0xb1: {  	[dreg:$0x4] =	wrdreg s18  }
0xb2: {  	[dreg:$0x5] =	wrdreg $0x9  }
0xb3: {  	_ =	task.clear_ibuf [dreg:s8], $0x6FFFF;
	_ =	strace $0x90000046  }
0xb4: {  	s29 =	simm.s32 $0x9;
	_ =	strace $0x80000048  }
0xb5: {  	_ =	swait.ge [sflag:s29], $0x1  }
0xb6: {  	[sflag:s29] =	ssyncadd.s32 $0xFFFFFFFF  }
0xb7: {  	_ =	strace $0x90000048  }
0xb8: {  	_ =	sfence  }
0xb9: {  	s30 =	sld [smem:$0x0];
	_ =	sdelay $0x2  }
0xba: {  	s31 =	sshll.u32 s1, $0xD;
	s1 =	sshrl.u32 s1, $0x2  }
0xbb: {  	s3 =	sand.u32 $0x4000, s31;
	s1 =	sadd.s32 s1, s30  }
0xbc: {  	s0 =	sor.u32 s3, s0;
	s1 =	sshll.u32 s1, $0x11  }
0xbd: {  	s0 =	sor.u32 s1, s0  }
0xbe: {  	s0 =	sadd.s32 $0x8F2B, s0  }
0xbf: {  	[sflag:s0] =	ssyncadd.remote.s32 $0x1  }
0xc0: {  	_ =	sfence.sel $0xFFFF  }
0xc1: {  	[dreg:$0x0] =	wrdreg $0xFFFFFFFF;
	(pc) =	sbr.abs _section_cstart, $3  }
0xc2: {  	[dreg:$0x1] =	wrdreg $0xFFFFFFFF  }
0xc3: {  	_ =	task.clear_ibuf [dreg:s8], $0x2FFFF;
	_ =	strace $0x9FFFFFFF  }
0xc4: {  	(tm) =	ssettm $0x7FFFFFFF  }
0xc5: {  	_ =	shalt  }
tec
execute0_lowered:
.L_overlay_start_1:
0x0: {  	(tag) =	ssettag $0x1  }
0x1: {  	s0 =	rddreg [dreg:$0x0]  }
0x2: {  	s2 =	rddreg [dreg:$0x1];
	s1 =	srdreg.scid  }
0x3: {  	s3 =	stileid.u32;
	s23 =	rddreg [dreg:$0x2]  }
0x4: {  	s4 =	simm.s32 $0x0;
	s1 =	sand.u32 $0x1, s1;
	s5 =	sshll.u32 s3, $0x1  }
0x5: {  	s28 =	simm.s32 $0x3;
	s29 =	simm.s32 $0x4;
	s5 =	sor.u32 s1, s5  }
0x6: {  	s30 =	simm.s32 $0x5C00;
	s6 =	smul.u32 $0x380, s5;
	s5 =	sshll.u32 s5, $0xB  }
0x7: {  	s31 =	simm.s32 $0x11C00;
	[smem:$0x7FF] =	sst s4;
	s5 =	sadd.s32 s23, s5  }
0x8: {  	_ =	strace $0x80000047;
	s8 =	sadd.s32 $0x10000, s5;
	[dreg:$0x5] =	wrdreg s5  }
0x9: {  	s12 =	sshll.u32 s3, $0xF;
	s9 =	sadd.s32 $0x20000, s5;
	[dreg:$0x6] =	wrdreg s8  }
0xa: {  	s7 =	ssub.s32 $0x2, s1;
	s10 =	sadd.s32 $0x2D0000, s5;
	[dreg:$0x7] =	wrdreg s9  }
0xb: {  	s1 =	sshll.u32 s1, $0xE;
	s11 =	sadd.s32 $0x2E0000, s5;
	[dreg:$0x8] =	wrdreg s10  }
0xc: {  	s26 =	sshrl.u32 s7, $0x1;
	s13 =	sadd.s32 $0x2F0000, s5;
	[dreg:$0x9] =	wrdreg s11  }
0xd: {  	s0 =	sadd.s32 s6, s0;
	s14 =	sadd.s32 $0x300000, s5;
	[dreg:$0xa] =	wrdreg s13  }
0xe: {  	s6 =	ssub.s32 s7, s26;
	s15 =	sadd.s32 $0x310000, s5;
	[dreg:$0xb] =	wrdreg s14  }
0xf: {  	s7 =	simm.s32 $0x5;
	s0 =	sadd.s32 $0x400, s0;
	[dreg:$0xc] =	wrdreg s15  }
0x10: {  	s18 =	smax.u32 s6, $0x1;
	s8 =	simm.s32 $0x8;
	s9 =	simm.s32 $0x6  }
0x11: {  	s10 =	simm.s32 $0x9;
	s11 =	simm.s32 $0xA;
	[dreg:$0x4] =	wrdreg s0  }
0x12: {  	s13 =	simm.s32 $0xC;
	s0 =	sor.u32 s1, s12;
	[dreg:$0xd] =	wrdreg s18  }
0x13: {  	s12 =	simm.s32 $0xB;
	s16 =	sor.u32 $0x280000, s0;
	s17 =	sor.u32 $0x200000, s0  }
0x14: {  	s20 =	sor.u32 $0x180000, s0;
	s21 =	sor.u32 $0x400000, s0;
	s22 =	sor.u32 $0x380000, s0  }
0x15: {  	s0 =	sor.u32 $0x300000, s0;
	s1 =	sshrl.u32 s16, $0x3;
	s5 =	sshrl.u32 s17, $0x3  }
0x16: {  	s24 =	sshrl.u32 s21, $0x3;
	[dreg:$0x13] =	wrdreg s0;
	s1 =	sadd.s32 s1, s23  }
0x17: {  	s25 =	sshrl.u32 s22, $0x3;
	s19 =	sadd.s32 s5, s23;
	[dreg:$0xe] =	wrdreg s1  }
0x18: {  	s26 =	sadd.s32 s25, s23;
	[dreg:$0xf] =	wrdreg s19;
	s1 =	sshrl.u32 s20, $0x3  }
0x19: {  	s22 =	simm.s32 $0x80;
	[dreg:$0x12] =	wrdreg s26;
	s1 =	sadd.s32 s1, s23  }
0x1a: {  	s0 =	simm.s32 $0x0;
	[dreg:$0x10] =	wrdreg s1;
	s1 =	sadd.s32 s24, s23  }
0x1b: {  	s5 =	simm.s32 $0x7;
	s25 =	simm.s32 $0x15C00;
	[dreg:$0x11] =	wrdreg s1  }
.LBB2_1:
0x1c: {  	[dreg:$0x14] =	wrdreg s0  }
0x1d: {  	s3 =	rddreg [dreg:$0x4];
	s21 =	simm.s32 $0xD  }
0x1e: {  	[tilespmem:s4], [sflag:$0xD] =	stream.linear.gather [hbm4b:s3+s4], $0x1900, $0x38;
	[tilespmem:$0x19C00] =	vst v63  }
0x1f: {  	_ =	swait.ge [sflag:s21], $0x1900  }
0x20: {  	[sflag:s21] =	ssyncset.done $0x0  }
0x21: {  	s15 =	simm.s32 $0x1C00;
	[sflag:s21] =	ssyncadd.s32 $0xFFFFE700  }
0x22: {  	[tilespmem:s15], [sflag:$0x1] =	stream.indirect.gather [hbm4b:s2+s22], $0x80, s4, s22, $0xb8;
	[tilespmem:$0x19C00] =	vst v63  }
0x23: {  	s17 =	simm.s32 $0x5C00  }
0x24: {  	[tilespmem:s17], [sflag:$0x2] =	stream.indirect.gather [hbm4b:s2+s22], $0x80, s22, s22, $0xb8;
	[tilespmem:$0x19C00] =	vst v63  }
0x25: {  	s24 =	simm.s32 $0x100;
	s0 =	simm.s32 $0x9C00;
	s14 =	simm.s32 $0x1  }
0x26: {  	[tilespmem:s0], [sflag:$0x3] =	stream.indirect.gather [hbm4b:s2+s22], $0x80, s24, s22, $0xb8;
	[tilespmem:$0x19C00] =	vst v63  }
0x27: {  	_ =	swait.ge [sflag:s14], $0x4000  }
0x28: {  	[sflag:s14] =	ssyncset.done $0x0  }
0x29: {  	s26 =	simm.s32 $0x180;
	s1 =	simm.s32 $0xDC00;
	[sflag:s14] =	ssyncadd.s32 $0xFFFFC000  }
0x2a: {  	[tilespmem:s1], [sflag:$0x4] =	stream.indirect.gather [hbm4b:s2+s22], $0x80, s26, s22, $0xb8;
	[tilespmem:$0x19C00] =	vst v63  }
0x2b: {  	s21 =	simm.s32 $0x2;
	s6 =	rddreg [dreg:$0x5]  }
0x2c: {  	[hbm4b:s6+s4] =	stream.linear.scatter [tilespmem:s15], [sflag:$0x7], $0x4000, $0x38;
	[tilespmem:$0x19C00] =	vst v63  }
0x2d: {  	_ =	swait.ge [sflag:s21], $0x4000  }
0x2e: {  	[sflag:s21] =	ssyncset.done $0x0  }
0x2f: {  	s16 =	simm.s32 $0x200;
	s19 =	simm.s32 $0x11C00;
	[sflag:s21] =	ssyncadd.s32 $0xFFFFC000  }
0x30: {  	[tilespmem:s19], [sflag:$0x5] =	stream.indirect.gather [hbm4b:s2+s22], $0x80, s16, s22, $0xb8;
	[tilespmem:$0x19C00] =	vst v63  }
0x31: {  	s18 =	rddreg [dreg:$0x6]  }
0x32: {  	[hbm4b:s18+s4] =	stream.linear.scatter [tilespmem:s17], [sflag:$0x8], $0x4000, $0x38;
	[tilespmem:$0x19C00] =	vst v63  }
0x33: {  	_ =	swait.ge [sflag:s28], $0x4000  }
0x34: {  	[sflag:s28] =	ssyncset.done $0x0  }
0x35: {  	s20 =	simm.s32 $0x280;
	s24 =	simm.s32 $0x15C00;
	[sflag:s28] =	ssyncadd.s32 $0xFFFFC000  }
0x36: {  	[tilespmem:s24], [sflag:$0x6] =	stream.indirect.gather [hbm4b:s2+s22], $0x80, s20, s22, $0xb8;
	[tilespmem:$0x19C00] =	vst v63  }
0x37: {  	s26 =	rddreg [dreg:$0x7]  }
0x38: {  	[hbm4b:s26+s4] =	stream.linear.scatter [tilespmem:s0], [sflag:$0x9], $0x4000, $0x38;
	[tilespmem:$0x19C00] =	vst v63  }
0x39: {  	_ =	swait.ge [sflag:s29], $0x4000  }
0x3a: {  	[sflag:s29] =	ssyncset.done $0x0  }
0x3b: {  	[sflag:s29] =	ssyncadd.s32 $0xFFFFC000  }
0x3c: {  	_ =	swait.ge [sflag:s5], $0x4000  }
0x3d: {  	[sflag:s5] =	ssyncset.done $0x0  }
0x3e: {  	s6 =	simm.s32 $0x300;
	[sflag:s5] =	ssyncadd.s32 $0xFFFFC000  }
0x3f: {  	[tilespmem:s15], [sflag:$0x1] =	stream.indirect.gather [hbm4b:s2+s22], $0x80, s6, s22, $0xb8;
	[tilespmem:$0x19C00] =	vst v63  }
0x40: {  	s20 =	rddreg [dreg:$0x10]  }
0x41: {  	[hbm4b:s20+s4] =	stream.linear.scatter [tilespmem:s1], [sflag:$0xA], $0x4000, $0x38;
	[tilespmem:$0x19C00] =	vst v63  }
0x42: {  	_ =	swait.ge [sflag:s7], $0x4000  }
0x43: {  	[sflag:s7] =	ssyncset.done $0x0  }
0x44: {  	[sflag:s7] =	ssyncadd.s32 $0xFFFFC000  }
0x45: {  	_ =	swait.ge [sflag:s8], $0x4000  }
0x46: {  	[sflag:s8] =	ssyncset.done $0x0  }
0x47: {  	s3 =	simm.s32 $0x380;
	[sflag:s8] =	ssyncadd.s32 $0xFFFFC000  }
0x48: {  	[tilespmem:s17], [sflag:$0x2] =	stream.indirect.gather [hbm4b:s2+s22], $0x80, s3, s22, $0xb8;
	[tilespmem:$0x19C00] =	vst v63  }
0x49: {  	s18 =	rddreg [dreg:$0xf]  }
0x4a: {  	[hbm4b:s18+s4] =	stream.linear.scatter [tilespmem:s19], [sflag:$0xB], $0x4000, $0x38;
	[tilespmem:$0x19C00] =	vst v63  }
0x4b: {  	_ =	swait.ge [sflag:s9], $0x4000  }
0x4c: {  	[sflag:s9] =	ssyncset.done $0x0  }
0x4d: {  	[sflag:s9] =	ssyncadd.s32 $0xFFFFC000  }
0x4e: {  	_ =	swait.ge [sflag:s10], $0x4000  }
0x4f: {  	[sflag:s10] =	ssyncset.done $0x0  }
0x50: {  	s16 =	simm.s32 $0x400;
	[sflag:s10] =	ssyncadd.s32 $0xFFFFC000  }
0x51: {  	[tilespmem:s0], [sflag:$0x3] =	stream.indirect.gather [hbm4b:s2+s22], $0x80, s16, s22, $0xb8;
	[tilespmem:$0x19C00] =	vst v63  }
0x52: {  	s3 =	rddreg [dreg:$0xe]  }
0x53: {  	[hbm4b:s3+s4] =	stream.linear.scatter [tilespmem:s24], [sflag:$0xC], $0x4000, $0x38;
	[tilespmem:$0x19C00] =	vst v63  }
0x54: {  	_ =	swait.ge [sflag:s14], $0x4000  }
0x55: {  	[sflag:s14] =	ssyncset.done $0x0  }
0x56: {  	[sflag:s14] =	ssyncadd.s32 $0xFFFFC000  }
0x57: {  	_ =	swait.ge [sflag:s11], $0x4000  }
0x58: {  	[sflag:s11] =	ssyncset.done $0x0;
	s16 =	rddreg [dreg:$0x13]  }
0x59: {  	s26 =	simm.s32 $0x480;
	[sflag:s11] =	ssyncadd.s32 $0xFFFFC000;
	s0 =	sshrl.u32 s16, $0x3  }
0x5a: {  	[tilespmem:s1], [sflag:$0x4] =	stream.indirect.gather [hbm4b:s2+s22], $0x80, s26, s22, $0xb8;
	[tilespmem:$0x19C00] =	vst v63  }
0x5b: {  	s14 =	sadd.s32 s23, s0  }
0x5c: {  	[hbm4b:s14+s4] =	stream.linear.scatter [tilespmem:s15], [sflag:$0x7], $0x4000, $0x38;
	[tilespmem:$0x19C00] =	vst v63  }
0x5d: {  	_ =	swait.ge [sflag:s21], $0x4000  }
0x5e: {  	[sflag:s21] =	ssyncset.done $0x0  }
0x5f: {  	[sflag:s21] =	ssyncadd.s32 $0xFFFFC000  }
0x60: {  	_ =	swait.ge [sflag:s12], $0x4000  }
0x61: {  	[sflag:s12] =	ssyncset.done $0x0  }
0x62: {  	s15 =	simm.s32 $0x500;
	[sflag:s12] =	ssyncadd.s32 $0xFFFFC000  }
0x63: {  	[tilespmem:s19], [sflag:$0x5] =	stream.indirect.gather [hbm4b:s2+s22], $0x80, s15, s22, $0xb8;
	[tilespmem:$0x19C00] =	vst v63  }
0x64: {  	s21 =	rddreg [dreg:$0x12]  }
0x65: {  	[hbm4b:s21+s4] =	stream.linear.scatter [tilespmem:s17], [sflag:$0x8], $0x4000, $0x38;
	[tilespmem:$0x19C00] =	vst v63  }
0x66: {  	_ =	swait.ge [sflag:s28], $0x4000  }
0x67: {  	s6 =	simm.s32 $0xC00;
	s20 =	sadd.s32 $0x60000, s20;
	[sflag:s28] =	ssyncset.done $0x0  }
0x68: {  	s26 =	simm.s32 $0x580;
	s15 =	sadd.s32 $0x300000, s16;
	[sflag:s28] =	ssyncadd.s32 $0xFFFFC000  }
0x69: {  	s19 =	sadd.s32 $0x60000, s18;
	s21 =	sadd.s32 $0x60000, s21;
	_ =	swait.ge [sflag:s13], $0x4000  }
0x6a: {  	s17 =	sadd.s32 $0x60000, s3;
	[sflag:s13] =	ssyncset.done $0x0;
	s28 =	rddreg [dreg:$0x11]  }
0x6b: {  	[sflag:s13] =	ssyncadd.s32 $0xFFFFC000;
	s16 =	sadd.s32 $0x60000, s28;
	s18 =	smov.u32 s28  }
0x6c: {  	[tilespmem:s24], [sflag:$0x6] =	stream.indirect.gather [hbm4b:s2+s22], $0x80, s26, s22, $0xb8;
	[tilespmem:$0x19C00] =	vst v63  }
.LBB2_2:
0x6d: {  	s24 =	simm.s32 $0x9C00  }
0x6e: {  	[hbm4b:s18+s4] =	stream.linear.scatter [tilespmem:s24], [sflag:$0x9], $0x4000, $0x38;
	[tilespmem:$0x19C00] =	vst v63  }
0x6f: {  	s14 =	smov.u32 s6;
	s18 =	smov.u32 s16  }
0x70: {  	p0 =	sne.s32 s6, $0x4800;
	s6 =	sadd.s32 $0xC00, s6;
	_ =	swait.ge [sflag:s29], $0x4000  }
0x71: {  	[sflag:s29] =	ssyncset.done $0x0  }
0x72: {  	[sflag:s29] =	ssyncadd.s32 $0xFFFFC000  }
0x73: {  	_ =	swait.ge [sflag:s5], $0x4000  }
0x74: {  	s14 =	sshra.s32 s14, $0x2;
	[sflag:s5] =	ssyncset.done $0x0  }
0x75: {  	s26 =	simm.s32 $0x1C00;
	s3 =	sadd.s32 $0x300, s14;
	[sflag:s5] =	ssyncadd.s32 $0xFFFFC000  }
0x76: {  	[tilespmem:s26], [sflag:$0x1] =	stream.indirect.gather [hbm4b:s2+s22], $0x80, s3, s22, $0xb8;
	[tilespmem:$0x19C00] =	vst v63  }
0x77: {  	s28 =	simm.s32 $0xDC00  }
0x78: {  	[hbm4b:s20+s4] =	stream.linear.scatter [tilespmem:s28], [sflag:$0xA], $0x4000, $0x38;
	[tilespmem:$0x19C00] =	vst v63  }
0x79: {  	_ =	swait.ge [sflag:s7], $0x4000  }
0x7a: {  	[sflag:s7] =	ssyncset.done $0x0  }
0x7b: {  	[sflag:s7] =	ssyncadd.s32 $0xFFFFC000  }
0x7c: {  	_ =	swait.ge [sflag:s8], $0x4000  }
0x7d: {  	[sflag:s8] =	ssyncset.done $0x0  }
0x7e: {  	s3 =	sadd.s32 $0x380, s14;
	[sflag:s8] =	ssyncadd.s32 $0xFFFFC000  }
0x7f: {  	[tilespmem:s30], [sflag:$0x2] =	stream.indirect.gather [hbm4b:s2+s22], $0x80, s3, s22, $0xb8;
	[tilespmem:$0x19C00] =	vst v63  }
0x80: {  	_ = 	snop  }
0x81: {  	[hbm4b:s19+s4] =	stream.linear.scatter [tilespmem:s31], [sflag:$0xB], $0x4000, $0x38;
	[tilespmem:$0x19C00] =	vst v63  }
0x82: {  	_ =	swait.ge [sflag:s9], $0x4000  }
0x83: {  	[sflag:s9] =	ssyncset.done $0x0  }
0x84: {  	[sflag:s9] =	ssyncadd.s32 $0xFFFFC000  }
0x85: {  	_ =	swait.ge [sflag:s10], $0x4000  }
0x86: {  	[sflag:s10] =	ssyncset.done $0x0  }
0x87: {  	s0 =	simm.s32 $0x9C00;
	s3 =	sadd.s32 $0x400, s14;
	[sflag:s10] =	ssyncadd.s32 $0xFFFFC000  }
0x88: {  	[tilespmem:s24], [sflag:$0x3] =	stream.indirect.gather [hbm4b:s2+s22], $0x80, s3, s22, $0xb8;
	[tilespmem:$0x19C00] =	vst v63  }
0x89: {  	s1 =	simm.s32 $0x1  }
0x8a: {  	[hbm4b:s17+s4] =	stream.linear.scatter [tilespmem:s25], [sflag:$0xC], $0x4000, $0x38;
	[tilespmem:$0x19C00] =	vst v63  }
0x8b: {  	_ =	swait.ge [sflag:s1], $0x4000  }
0x8c: {  	[sflag:s1] =	ssyncset.done $0x0  }
0x8d: {  	[sflag:s1] =	ssyncadd.s32 $0xFFFFC000  }
0x8e: {  	_ =	swait.ge [sflag:s11], $0x4000  }
0x8f: {  	[sflag:s11] =	ssyncset.done $0x0  }
0x90: {  	s3 =	sadd.s32 $0x480, s14;
	s24 =	sshrl.u32 s15, $0x3;
	[sflag:s11] =	ssyncadd.s32 $0xFFFFC000  }
0x91: {  	[tilespmem:s28], [sflag:$0x4] =	stream.indirect.gather [hbm4b:s2+s22], $0x80, s3, s22, $0xb8;
	[tilespmem:$0x19C00] =	vst v63  }
0x92: {  	s1 =	simm.s32 $0xDC00;
	s28 =	simm.s32 $0x3  }
0x93: {  	s3 =	sadd.s32 s23, s24  }
0x94: {  	[hbm4b:s3+s4] =	stream.linear.scatter [tilespmem:s26], [sflag:$0x7], $0x4000, $0x38;
	[tilespmem:$0x19C00] =	vst v63  }
0x95: {  	s3 =	simm.s32 $0x2  }
0x96: {  	_ =	swait.ge [sflag:s3], $0x4000  }
0x97: {  	[sflag:s3] =	ssyncset.done $0x0  }
0x98: {  	[sflag:s3] =	ssyncadd.s32 $0xFFFFC000  }
0x99: {  	_ =	swait.ge [sflag:s12], $0x4000  }
0x9a: {  	[sflag:s12] =	ssyncset.done $0x0  }
0x9b: {  	s24 =	simm.s32 $0x11C00;
	s3 =	sadd.s32 $0x500, s14;
	[sflag:s12] =	ssyncadd.s32 $0xFFFFC000  }
0x9c: {  	[tilespmem:s31], [sflag:$0x5] =	stream.indirect.gather [hbm4b:s2+s22], $0x80, s3, s22, $0xb8;
	[tilespmem:$0x19C00] =	vst v63  }
0x9d: {  	_ = 	snop  }
0x9e: {  	[hbm4b:s21+s4] =	stream.linear.scatter [tilespmem:s30], [sflag:$0x8], $0x4000, $0x38;
	[tilespmem:$0x19C00] =	vst v63  }
0x9f: {  	_ =	swait.ge [sflag:s28], $0x4000  }
0xa0: {  	[sflag:s28] =	ssyncset.done $0x0  }
0xa1: {  	[sflag:s28] =	ssyncadd.s32 $0xFFFFC000  }
.Ltmp0:
0xa2: {  	s16 =	sadd.s32 $0x60000, s16;
	_ =	swait.ge [sflag:s13], $0x4000;
	(pc) =	sbr.rel @p0 .LBB2_2-.Ltmp0, $4  }
0xa3: {  	s15 =	sadd.s32 $0x300000, s15;
	s21 =	sadd.s32 $0x60000, s21;
	[sflag:s13] =	ssyncset.done $0x0  }
0xa4: {  	s26 =	simm.s32 $0x15C00;
	s3 =	sadd.s32 $0x580, s14;
	[sflag:s13] =	ssyncadd.s32 $0xFFFFC000  }
0xa5: {  	[tilespmem:s25], [sflag:$0x6] =	stream.indirect.gather [hbm4b:s2+s22], $0x80, s3, s22, $0xb8;
	[tilespmem:$0x19C00] =	vst v63  }
0xa6: {  	s20 =	sadd.s32 $0x60000, s20;
	s19 =	sadd.s32 $0x60000, s19;
	s17 =	sadd.s32 $0x60000, s17  }
0xa7: {  	[hbm4b:s18+s4] =	stream.linear.scatter [tilespmem:s0], [sflag:$0x9], $0x4000, $0x38;
	[tilespmem:$0x19C00] =	vst v63  }
0xa8: {  	_ =	swait.ge [sflag:s29], $0x4000  }
0xa9: {  	[sflag:s29] =	ssyncset.done $0x0  }
0xaa: {  	[sflag:s29] =	ssyncadd.s32 $0xFFFFC000  }
0xab: {  	_ =	swait.ge [sflag:s5], $0x4000  }
0xac: {  	[sflag:s5] =	ssyncset.done $0x0  }
0xad: {  	s6 =	simm.s32 $0x1C00;
	s14 =	simm.s32 $0x1800;
	[sflag:s5] =	ssyncadd.s32 $0xFFFFC000  }
0xae: {  	[tilespmem:s6], [sflag:$0x1] =	stream.indirect.gather [hbm4b:s2+s22], $0x80, s14, s22, $0xb8;
	[tilespmem:$0x19C00] =	vst v63  }
0xaf: {  	s3 =	rddreg [dreg:$0x8]  }
0xb0: {  	[hbm4b:s3+s4] =	stream.linear.scatter [tilespmem:s1], [sflag:$0xA], $0x4000, $0x38;
	[tilespmem:$0x19C00] =	vst v63  }
0xb1: {  	_ =	swait.ge [sflag:s7], $0x4000  }
0xb2: {  	[sflag:s7] =	ssyncset.done $0x0  }
0xb3: {  	[sflag:s7] =	ssyncadd.s32 $0xFFFFC000  }
0xb4: {  	_ =	swait.ge [sflag:s8], $0x4000  }
0xb5: {  	[sflag:s8] =	ssyncset.done $0x0  }
0xb6: {  	s15 =	simm.s32 $0x1880;
	s14 =	simm.s32 $0x5C00;
	[sflag:s8] =	ssyncadd.s32 $0xFFFFC000  }
0xb7: {  	[tilespmem:s14], [sflag:$0x2] =	stream.indirect.gather [hbm4b:s2+s22], $0x80, s15, s22, $0xb8;
	[tilespmem:$0x19C00] =	vst v63  }
0xb8: {  	s16 =	rddreg [dreg:$0x9]  }
0xb9: {  	[hbm4b:s16+s4] =	stream.linear.scatter [tilespmem:s24], [sflag:$0xB], $0x4000, $0x38;
	[tilespmem:$0x19C00] =	vst v63  }
0xba: {  	_ =	swait.ge [sflag:s9], $0x4000  }
0xbb: {  	[sflag:s9] =	ssyncset.done $0x0  }
0xbc: {  	[sflag:s9] =	ssyncadd.s32 $0xFFFFC000  }
0xbd: {  	_ =	swait.ge [sflag:s10], $0x4000  }
0xbe: {  	[sflag:s10] =	ssyncset.done $0x0  }
0xbf: {  	s18 =	simm.s32 $0x1;
	s17 =	rddreg [dreg:$0xa];
	[sflag:s10] =	ssyncadd.s32 $0xFFFFC000  }
0xc0: {  	[hbm4b:s17+s4] =	stream.linear.scatter [tilespmem:s26], [sflag:$0xC], $0x4000, $0x38;
	[tilespmem:$0x19C00] =	vst v63  }
0xc1: {  	_ =	swait.ge [sflag:s18], $0x4000  }
0xc2: {  	[sflag:s18] =	ssyncset.done $0x0  }
0xc3: {  	[sflag:s18] =	ssyncadd.s32 $0xFFFFC000  }
0xc4: {  	_ =	swait.ge [sflag:s11], $0x4000  }
0xc5: {  	[sflag:s11] =	ssyncset.done $0x0  }
0xc6: {  	s20 =	simm.s32 $0x2;
	s19 =	rddreg [dreg:$0xb];
	[sflag:s11] =	ssyncadd.s32 $0xFFFFC000  }
0xc7: {  	[hbm4b:s19+s4] =	stream.linear.scatter [tilespmem:s6], [sflag:$0x7], $0x4000, $0x38;
	[tilespmem:$0x19C00] =	vst v63  }
0xc8: {  	_ =	swait.ge [sflag:s20], $0x4000  }
0xc9: {  	[sflag:s20] =	ssyncset.done $0x0  }
0xca: {  	[sflag:s20] =	ssyncadd.s32 $0xFFFFC000  }
0xcb: {  	_ =	swait.ge [sflag:s12], $0x4000  }
0xcc: {  	[sflag:s12] =	ssyncset.done $0x0  }
0xcd: {  	s21 =	rddreg [dreg:$0xc];
	[sflag:s12] =	ssyncadd.s32 $0xFFFFC000  }
0xce: {  	[hbm4b:s21+s4] =	stream.linear.scatter [tilespmem:s14], [sflag:$0x8], $0x4000, $0x38;
	[tilespmem:$0x19C00] =	vst v63  }
0xcf: {  	_ =	swait.ge [sflag:s13], $0x4000  }
0xd0: {  	[sflag:s13] =	ssyncset.done $0x0  }
0xd1: {  	[sflag:s13] =	ssyncadd.s32 $0xFFFFC000  }
0xd2: {  	_ =	swait.ge [sflag:s5], $0x4000  }
0xd3: {  	[sflag:s5] =	ssyncset.done $0x0  }
0xd4: {  	[sflag:s5] =	ssyncadd.s32 $0xFFFFC000  }
0xd5: {  	_ =	swait.ge [sflag:s8], $0x4000  }
0xd6: {  	s24 =	rddreg [dreg:$0x14]  }
0xd7: {  	s26 =	rddreg [dreg:$0xd];
	s0 =	sadd.s32 $0x1, s24  }
0xd8: {  	p0 =	sne.s32 s0, s26  }
.Ltmp1:
0xd9: {  	_ = 	snop;
	(pc) =	sbr.rel @p0 .LBB2_1-.Ltmp1, $3  }
0xda: {  	_ =	sdelay $0x1  }
0xdb: {  	[sflag:s8] =	ssyncset.done $0x0  }
0xdc: {  	[sflag:s8] =	ssyncadd.s32 $0xFFFFC000  }
0xdd: {  	_ =	sfence.sel $0x180000  }
0xde: {  	[bflag:$0x0] =	sbarrier.arrive $0xFFFF  }
0xdf: {  	_ =	strace $0x90000047  }
0xe0: {  	s0 =	stileid.u32;
	[bflag:$0x2] =	sbarrier.arrive $0xFFFF  }
0xe1: {  	p0 =	sne.s32 s0, $0x0;
	s0 =	rddreg [dreg:$0x3]  }
0xe2: {  	s0 =	sadd.s32 @!p0 $0x100000, s0  }
0xe3: {  	[sflag:s0] =	ssyncadd.tile.s32 @!p0 $0x1;
	_ =	shalt  }
.Lfunc_end2:
_tile_overlayer_lowered:
.L_overlay_start_2:
0xe4: {  	(tag) =	ssettag $0x2  }
0xe5: {  	s0 =	rddreg [dreg:$0x0];
	s2 =	stileid.u32  }
0xe6: {  	s1 =	rddreg [dreg:$0x1];
	p0 =	sne.s32 s2, $0x0  }
0xe7: {  	s3 =	rddreg [dreg:$0x2];
	[bflag:$0x3] =	sbarrier.arrive $0xFFFF;
	s2 =	simm.s32 @!p0 $0x1C0D  }
0xe8: {  	[timem:s3], [sflag:s2] =	dma.local @!p0 [hbm:s0], s1  }
0xe9: {  	s0 =	simm.s32 @!p0 $0xD  }
0xea: {  	_ =	swait.ge @!p0 [sflag:s0], s1  }
0xeb: {  	s1 =	ssub.s32 @!p0 $0x0, s1;
	[sflag:s0] =	ssyncset.done @!p0 $0x0  }
0xec: {  	[sflag:s0] =	ssyncadd.s32 @!p0 s1  }
0xed: {  	[bflag:$0x3] =	sbarrier.arrive $0xFFFF  }
0xee: {  	_ =	shalt  }

</sc_bundles>
